<compile_context>
chip_gen: v7x
topology: tpu7x:2x2x1
jax: 0.10.2.dev20260603
libtpu: 0.0.44.dev20260713+nightly
codegen_flags: <defaults>
</compile_context>

<pallas_src>
import functools
import jax
import jax.numpy as jnp
from jax import lax
from jax.experimental import pallas as pl
from jax.experimental.pallas import tpu as pltpu
from jax.experimental.pallas import tpu_sc as plsc


def _full16(v):
    return jnp.full((16,), v, jnp.int32)


def _sc_body(x_hbm, w_hbm, b_hbm, tod_hbm, dow_hbm, adp_hbm, out_hbm,
             w_v, b_v, tod_v, dow_v, adp_v, x_v, row_v,
             *, B, L, N, n_per_w, E, A, steps_per_day):
    NC = 2
    wid = lax.axis_index("s") * NC + lax.axis_index("c")
    n0 = wid * n_per_w
    OUT = 3 * E + A

    pltpu.sync_copy(w_hbm, w_v)
    pltpu.sync_copy(b_hbm, b_v)
    pltpu.sync_copy(tod_hbm, tod_v)
    pltpu.sync_copy(dow_hbm, dow_v)
    for l in range(L):
        pltpu.sync_copy(
            adp_hbm.at[pl.ds(l * N * A + n0 * A, n_per_w * A)],
            adp_v.at[pl.ds(l * n_per_w * A, n_per_w * A)],
        )

    i16 = lax.iota(jnp.int32, 16)
    n_groups = n_per_w // 16

    def lbody(l, carry):
        def gadp(g, c0):
            rows = g * 16 + i16
            abase = l * n_per_w * A + rows * A

            def cadp(c, c1):
                v = plsc.load_gather(adp_v, [abase + c])
                plsc.store_scatter(row_v, [rows, jnp.full((16,), 3 * E, jnp.int32) + c], v)
                return c1

            lax.fori_loop(0, A, cadp, 0)
            return c0

        lax.fori_loop(0, n_groups, gadp, 0)

        def bbody(b, c2):
            base = ((b * L + l) * N + n0) * 3
            pltpu.sync_copy(x_hbm.at[pl.ds(base, n_per_w * 3)], x_v)
            def gbody(g, c3):
                rows = g * 16 + i16
                xofs = rows * 3
                x0 = plsc.load_gather(x_v, [xofs])
                x1 = plsc.load_gather(x_v, [xofs + 1])
                x2 = plsc.load_gather(x_v, [xofs + 2])
                ti = (x1 * jnp.float32(steps_per_day)).astype(jnp.int32) * E
                di = x2.astype(jnp.int32) * E

                def jbody(j, c4):
                    jv = jnp.full((16,), j, jnp.int32)
                    w0 = plsc.load_gather(w_v, [jv])
                    w1 = plsc.load_gather(w_v, [jv + E])
                    w2 = plsc.load_gather(w_v, [jv + 2 * E])
                    bj = plsc.load_gather(b_v, [jv])
                    xpj = x0 * w0 + x1 * w1 + x2 * w2 + bj
                    plsc.store_scatter(row_v, [rows, jv], xpj)
                    tj = plsc.load_gather(tod_v, [ti + j])
                    plsc.store_scatter(row_v, [rows, jv + E], tj)
                    dj = plsc.load_gather(dow_v, [di + j])
                    plsc.store_scatter(row_v, [rows, jv + 2 * E], dj)
                    return c4

                lax.fori_loop(0, E, jbody, 0)
                return c3

            lax.fori_loop(0, n_groups, gbody, 0)
            pltpu.sync_copy(row_v, out_hbm.at[b, l, pl.ds(n0, n_per_w), :])
            return c2

        lax.fori_loop(0, B, bbody, 0)
        return carry

    lax.fori_loop(0, L, lbody, 0)


def kernel(x, W_in, b_in, tod_table, dow_table, adp):
    B, L, N, D = x.shape
    E = W_in.shape[1]
    A = adp.shape[-1]
    OUT = 3 * E + A
    NW = 32
    n_per_w = N // NW

    mesh = plsc.VectorSubcoreMesh(core_axis_name="c", subcore_axis_name="s")
    f = functools.partial(
        pl.kernel,
        out_type=jax.ShapeDtypeStruct((B, L, N, OUT), jnp.float32),
        mesh=mesh,
        compiler_params=pltpu.CompilerParams(needs_layout_passes=False),
        scratch_types=[
            pltpu.VMEM((D * E,), jnp.float32),
            pltpu.VMEM((E,), jnp.float32),
            pltpu.VMEM((tod_table.shape[0] * E,), jnp.float32),
            pltpu.VMEM((dow_table.shape[0] * E,), jnp.float32),
            pltpu.VMEM((L * n_per_w * A,), jnp.float32),
            pltpu.VMEM((n_per_w * D,), jnp.float32),
            pltpu.VMEM((n_per_w, OUT), jnp.float32),
        ],
    )(functools.partial(_sc_body, B=B, L=L, N=N, n_per_w=n_per_w, E=E, A=A,
                        steps_per_day=288))
    return f(x.reshape(-1), W_in.reshape(-1), b_in, tod_table.reshape(-1),
             dow_table.reshape(-1), adp.reshape(-1))

# --- scband reference (transcript-rebuilt; emitter-appended) ---
"""Pipeline reference for scband-data-embedding-7138235646214 (READ-ONLY COPY).

The authoritative reference and input builder live on the scoring server;
editing this copy changes nothing except your own understanding.
"""

import jax, jax.numpy as jnp
import numpy as np


def setup_inputs(seed: int = 0) -> dict:
    key = jax.random.key(seed)
    ks = jax.random.split(key, 6)
    B, L, N, D = 32, 12, 2048, 3
    embed_dim, adp_dim = 24, 80
    x = jax.random.uniform(ks[0], (B, L, N, D), dtype=jnp.float32)
    W_in = jax.random.normal(ks[1], (D, embed_dim), dtype=jnp.float32) * 0.1
    b_in = jnp.zeros((embed_dim,), dtype=jnp.float32)
    tod_table = jax.random.normal(ks[2], (288, embed_dim), dtype=jnp.float32) * 0.02
    dow_table = jax.random.normal(ks[3], (7, embed_dim), dtype=jnp.float32) * 0.02
    adp = jax.random.normal(ks[4], (L, N, adp_dim), dtype=jnp.float32) * 0.02
    return {"x": x, "W_in": W_in, "b_in": b_in, "tod_table": tod_table, "dow_table": dow_table, "adp": adp}


def reference(x, W_in, b_in, tod_table, dow_table, adp):
    steps_per_day = 288
    output_dim = 1
    # extract time features BEFORE projection (matches torch forward order)
    tod = x[..., output_dim]
    dow = x[..., output_dim + 1]
    # input projection: Linear(input_dim, embed_dim)
    xp = jnp.matmul(x, W_in) + b_in
    features = [xp]
    # time-of-day embedding lookup
    tod_idx = (tod * steps_per_day).astype(jnp.int32)
    tod_emb = jnp.take(tod_table, tod_idx, axis=0)
    features.append(tod_emb)
    # day-of-week embedding lookup
    dow_idx = dow.astype(jnp.int32)
    dow_emb = jnp.take(dow_table, dow_idx, axis=0)
    features.append(dow_emb)
    # adaptive embedding broadcast over batch
    adp_emb = jnp.broadcast_to(adp[None, ...], (x.shape[0],) + adp.shape)
    features.append(adp_emb)
    return jnp.concatenate(features, axis=-1)

if __name__ == "__main__":
    import jax
    _d = setup_inputs()
    print(jax.jit(kernel)(*tuple(_d.values())))

</pallas_src>

<mosaic_0001>
#map = affine_map<(d0, d1) -> (0)>
#map1 = affine_map<(d0, d1) -> (0, 0, 0, 0)>
module attributes {stable_mosaic.version = 14 : i64} {
  func.func @_sc_body(%arg0: i32, %arg1: i32, %arg2: memref<2359296xf32, #tpu.memory_space<hbm>>, %arg3: memref<72xf32, #tpu.memory_space<hbm>>, %arg4: memref<24xf32, #tpu.memory_space<hbm>>, %arg5: memref<6912xf32, #tpu.memory_space<hbm>>, %arg6: memref<168xf32, #tpu.memory_space<hbm>>, %arg7: memref<1966080xf32, #tpu.memory_space<hbm>>, %arg8: memref<32x12x2048x152xf32, #tpu.memory_space<hbm>>, %arg9: memref<72xf32, #tpu.memory_space<vmem>>, %arg10: memref<24xf32, #tpu.memory_space<vmem>>, %arg11: memref<6912xf32, #tpu.memory_space<vmem>>, %arg12: memref<168xf32, #tpu.memory_space<vmem>>, %arg13: memref<61440xf32, #tpu.memory_space<vmem>>, %arg14: memref<192xf32, #tpu.memory_space<vmem>>, %arg15: memref<64x152xf32, #tpu.memory_space<vmem>>) attributes {dimension_semantics = [#tpu.dimension_semantics<core_parallel>, #tpu.dimension_semantics<subcore_parallel>], iteration_bounds = array<i64: 2, 16>, scalar_prefetch = 0 : i64, scratch_operands = 7 : i64, tpu.core_type = #tpu.core_type<sc_vector_subcore>, window_params = [{transform_indices = #map}, {transform_indices = #map}, {transform_indices = #map}, {transform_indices = #map}, {transform_indices = #map}, {transform_indices = #map}, {transform_indices = #map1}]} {
    %mul3A = arith.constant 2 : i32
    %mul3A_0 = arith.muli %arg1, %mul3A : i32
    %add3A = arith.addi %mul3A_0, %arg0 : i32
    %mul3A_1 = arith.constant 64 : i32
    %mul3A_2 = arith.muli %add3A, %mul3A_1 : i32
    "tpu.region"() ({
      %run_scoped3A = tpu.sem_alloc : memref<!tpu.dma_semaphore, #tpu.memory_space<semaphore_mem>>
      tpu.enqueue_dma source(%arg3 : memref<72xf32, #tpu.memory_space<hbm>>) target(%arg9 : memref<72xf32, #tpu.memory_space<vmem>>) target_semaphore(%run_scoped3A : memref<!tpu.dma_semaphore, #tpu.memory_space<semaphore_mem>>)
      tpu.wait_dma2 semaphore(%run_scoped3A : memref<!tpu.dma_semaphore, #tpu.memory_space<semaphore_mem>>) src(%arg3 : memref<72xf32, #tpu.memory_space<hbm>>) dst(%arg9 : memref<72xf32, #tpu.memory_space<vmem>>)
      tpu.yield
    }) : () -> ()
    "tpu.region"() ({
      %run_scoped3A = tpu.sem_alloc : memref<!tpu.dma_semaphore, #tpu.memory_space<semaphore_mem>>
      tpu.enqueue_dma source(%arg4 : memref<24xf32, #tpu.memory_space<hbm>>) target(%arg10 : memref<24xf32, #tpu.memory_space<vmem>>) target_semaphore(%run_scoped3A : memref<!tpu.dma_semaphore, #tpu.memory_space<semaphore_mem>>)
      tpu.wait_dma2 semaphore(%run_scoped3A : memref<!tpu.dma_semaphore, #tpu.memory_space<semaphore_mem>>) src(%arg4 : memref<24xf32, #tpu.memory_space<hbm>>) dst(%arg10 : memref<24xf32, #tpu.memory_space<vmem>>)
      tpu.yield
    }) : () -> ()
    "tpu.region"() ({
      %run_scoped3A = tpu.sem_alloc : memref<!tpu.dma_semaphore, #tpu.memory_space<semaphore_mem>>
      tpu.enqueue_dma source(%arg5 : memref<6912xf32, #tpu.memory_space<hbm>>) target(%arg11 : memref<6912xf32, #tpu.memory_space<vmem>>) target_semaphore(%run_scoped3A : memref<!tpu.dma_semaphore, #tpu.memory_space<semaphore_mem>>)
      tpu.wait_dma2 semaphore(%run_scoped3A : memref<!tpu.dma_semaphore, #tpu.memory_space<semaphore_mem>>) src(%arg5 : memref<6912xf32, #tpu.memory_space<hbm>>) dst(%arg11 : memref<6912xf32, #tpu.memory_space<vmem>>)
      tpu.yield
    }) : () -> ()
    "tpu.region"() ({
      %run_scoped3A = tpu.sem_alloc : memref<!tpu.dma_semaphore, #tpu.memory_space<semaphore_mem>>
      tpu.enqueue_dma source(%arg6 : memref<168xf32, #tpu.memory_space<hbm>>) target(%arg12 : memref<168xf32, #tpu.memory_space<vmem>>) target_semaphore(%run_scoped3A : memref<!tpu.dma_semaphore, #tpu.memory_space<semaphore_mem>>)
      tpu.wait_dma2 semaphore(%run_scoped3A : memref<!tpu.dma_semaphore, #tpu.memory_space<semaphore_mem>>) src(%arg6 : memref<168xf32, #tpu.memory_space<hbm>>) dst(%arg12 : memref<168xf32, #tpu.memory_space<vmem>>)
      tpu.yield
    }) : () -> ()
    %mul3A_3 = arith.constant 80 : i32
    %mul3A_4 = arith.muli %mul3A_2, %mul3A_3 : i32
    %add3A_5 = arith.constant 0 : i32
    %add3A_6 = arith.addi %add3A_5, %mul3A_4 : i32
    "tpu.region"() ({
      %run_scoped3A = tpu.sem_alloc : memref<!tpu.dma_semaphore, #tpu.memory_space<semaphore_mem>>
      %dma_start3A = arith.constant 0 : i32
      %dma_start3A_56 = tpu.memref_slice %arg13[%dma_start3A] : memref<61440xf32, #tpu.memory_space<vmem>> -> memref<5120xf32, #tpu.memory_space<vmem>>
      %dma_start3A_57 = tpu.memref_slice %arg7[%add3A_6] : memref<1966080xf32, #tpu.memory_space<hbm>> -> memref<5120xf32, #tpu.memory_space<hbm>>
      %dma_start3A_58 = arith.constant 0 : i32
      %dma_start3A_59 = tpu.memref_slice %arg13[%dma_start3A_58] : memref<61440xf32, #tpu.memory_space<vmem>> -> memref<5120xf32, #tpu.memory_space<vmem>>
      %dma_start3A_60 = tpu.memref_slice %arg7[%add3A_6] : memref<1966080xf32, #tpu.memory_space<hbm>> -> memref<5120xf32, #tpu.memory_space<hbm>>
      tpu.enqueue_dma source(%dma_start3A_60 : memref<5120xf32, #tpu.memory_space<hbm>>) target(%dma_start3A_59 : memref<5120xf32, #tpu.memory_space<vmem>>) target_semaphore(%run_scoped3A : memref<!tpu.dma_semaphore, #tpu.memory_space<semaphore_mem>>)
      %dma_wait3A = arith.constant 0 : i32
      %dma_wait3A_61 = tpu.memref_slice %arg13[%dma_wait3A] : memref<61440xf32, #tpu.memory_space<vmem>> -> memref<5120xf32, #tpu.memory_space<vmem>>
      %dma_wait3A_62 = tpu.memref_slice %arg7[%add3A_6] : memref<1966080xf32, #tpu.memory_space<hbm>> -> memref<5120xf32, #tpu.memory_space<hbm>>
      %dma_wait3A_63 = arith.constant 0 : i32
      %dma_wait3A_64 = tpu.memref_slice %arg13[%dma_wait3A_63] : memref<61440xf32, #tpu.memory_space<vmem>> -> memref<5120xf32, #tpu.memory_space<vmem>>
      %dma_wait3A_65 = tpu.memref_slice %arg7[%add3A_6] : memref<1966080xf32, #tpu.memory_space<hbm>> -> memref<5120xf32, #tpu.memory_space<hbm>>
      tpu.wait_dma2 semaphore(%run_scoped3A : memref<!tpu.dma_semaphore, #tpu.memory_space<semaphore_mem>>) src(%dma_wait3A_65 : memref<5120xf32, #tpu.memory_space<hbm>>) dst(%dma_wait3A_64 : memref<5120xf32, #tpu.memory_space<vmem>>)
      tpu.yield
    }) : () -> ()
    %mul3A_7 = arith.constant 80 : i32
    %mul3A_8 = arith.muli %mul3A_2, %mul3A_7 : i32
    %add3A_9 = arith.constant 163840 : i32
    %add3A_10 = arith.addi %add3A_9, %mul3A_8 : i32
    "tpu.region"() ({
      %run_scoped3A = tpu.sem_alloc : memref<!tpu.dma_semaphore, #tpu.memory_space<semaphore_mem>>
      %dma_start3A = arith.constant 5120 : i32
      %dma_start3A_56 = tpu.memref_slice %arg13[%dma_start3A] : memref<61440xf32, #tpu.memory_space<vmem>> -> memref<5120xf32, #tpu.memory_space<vmem>>
      %dma_start3A_57 = tpu.memref_slice %arg7[%add3A_10] : memref<1966080xf32, #tpu.memory_space<hbm>> -> memref<5120xf32, #tpu.memory_space<hbm>>
      %dma_start3A_58 = arith.constant 5120 : i32
      %dma_start3A_59 = tpu.memref_slice %arg13[%dma_start3A_58] : memref<61440xf32, #tpu.memory_space<vmem>> -> memref<5120xf32, #tpu.memory_space<vmem>>
      %dma_start3A_60 = tpu.memref_slice %arg7[%add3A_10] : memref<1966080xf32, #tpu.memory_space<hbm>> -> memref<5120xf32, #tpu.memory_space<hbm>>
      tpu.enqueue_dma source(%dma_start3A_60 : memref<5120xf32, #tpu.memory_space<hbm>>) target(%dma_start3A_59 : memref<5120xf32, #tpu.memory_space<vmem>>) target_semaphore(%run_scoped3A : memref<!tpu.dma_semaphore, #tpu.memory_space<semaphore_mem>>)
      %dma_wait3A = arith.constant 5120 : i32
      %dma_wait3A_61 = tpu.memref_slice %arg13[%dma_wait3A] : memref<61440xf32, #tpu.memory_space<vmem>> -> memref<5120xf32, #tpu.memory_space<vmem>>
      %dma_wait3A_62 = tpu.memref_slice %arg7[%add3A_10] : memref<1966080xf32, #tpu.memory_space<hbm>> -> memref<5120xf32, #tpu.memory_space<hbm>>
      %dma_wait3A_63 = arith.constant 5120 : i32
      %dma_wait3A_64 = tpu.memref_slice %arg13[%dma_wait3A_63] : memref<61440xf32, #tpu.memory_space<vmem>> -> memref<5120xf32, #tpu.memory_space<vmem>>
      %dma_wait3A_65 = tpu.memref_slice %arg7[%add3A_10] : memref<1966080xf32, #tpu.memory_space<hbm>> -> memref<5120xf32, #tpu.memory_space<hbm>>
      tpu.wait_dma2 semaphore(%run_scoped3A : memref<!tpu.dma_semaphore, #tpu.memory_space<semaphore_mem>>) src(%dma_wait3A_65 : memref<5120xf32, #tpu.memory_space<hbm>>) dst(%dma_wait3A_64 : memref<5120xf32, #tpu.memory_space<vmem>>)
      tpu.yield
    }) : () -> ()
    %mul3A_11 = arith.constant 80 : i32
    %mul3A_12 = arith.muli %mul3A_2, %mul3A_11 : i32
    %add3A_13 = arith.constant 327680 : i32
    %add3A_14 = arith.addi %add3A_13, %mul3A_12 : i32
    "tpu.region"() ({
      %run_scoped3A = tpu.sem_alloc : memref<!tpu.dma_semaphore, #tpu.memory_space<semaphore_mem>>
      %dma_start3A = arith.constant 10240 : i32
      %dma_start3A_56 = tpu.memref_slice %arg13[%dma_start3A] : memref<61440xf32, #tpu.memory_space<vmem>> -> memref<5120xf32, #tpu.memory_space<vmem>>
      %dma_start3A_57 = tpu.memref_slice %arg7[%add3A_14] : memref<1966080xf32, #tpu.memory_space<hbm>> -> memref<5120xf32, #tpu.memory_space<hbm>>
      %dma_start3A_58 = arith.constant 10240 : i32
      %dma_start3A_59 = tpu.memref_slice %arg13[%dma_start3A_58] : memref<61440xf32, #tpu.memory_space<vmem>> -> memref<5120xf32, #tpu.memory_space<vmem>>
      %dma_start3A_60 = tpu.memref_slice %arg7[%add3A_14] : memref<1966080xf32, #tpu.memory_space<hbm>> -> memref<5120xf32, #tpu.memory_space<hbm>>
      tpu.enqueue_dma source(%dma_start3A_60 : memref<5120xf32, #tpu.memory_space<hbm>>) target(%dma_start3A_59 : memref<5120xf32, #tpu.memory_space<vmem>>) target_semaphore(%run_scoped3A : memref<!tpu.dma_semaphore, #tpu.memory_space<semaphore_mem>>)
      %dma_wait3A = arith.constant 10240 : i32
      %dma_wait3A_61 = tpu.memref_slice %arg13[%dma_wait3A] : memref<61440xf32, #tpu.memory_space<vmem>> -> memref<5120xf32, #tpu.memory_space<vmem>>
      %dma_wait3A_62 = tpu.memref_slice %arg7[%add3A_14] : memref<1966080xf32, #tpu.memory_space<hbm>> -> memref<5120xf32, #tpu.memory_space<hbm>>
      %dma_wait3A_63 = arith.constant 10240 : i32
      %dma_wait3A_64 = tpu.memref_slice %arg13[%dma_wait3A_63] : memref<61440xf32, #tpu.memory_space<vmem>> -> memref<5120xf32, #tpu.memory_space<vmem>>
      %dma_wait3A_65 = tpu.memref_slice %arg7[%add3A_14] : memref<1966080xf32, #tpu.memory_space<hbm>> -> memref<5120xf32, #tpu.memory_space<hbm>>
      tpu.wait_dma2 semaphore(%run_scoped3A : memref<!tpu.dma_semaphore, #tpu.memory_space<semaphore_mem>>) src(%dma_wait3A_65 : memref<5120xf32, #tpu.memory_space<hbm>>) dst(%dma_wait3A_64 : memref<5120xf32, #tpu.memory_space<vmem>>)
      tpu.yield
    }) : () -> ()
    %mul3A_15 = arith.constant 80 : i32
    %mul3A_16 = arith.muli %mul3A_2, %mul3A_15 : i32
    %add3A_17 = arith.constant 491520 : i32
    %add3A_18 = arith.addi %add3A_17, %mul3A_16 : i32
    "tpu.region"() ({
      %run_scoped3A = tpu.sem_alloc : memref<!tpu.dma_semaphore, #tpu.memory_space<semaphore_mem>>
      %dma_start3A = arith.constant 15360 : i32
      %dma_start3A_56 = tpu.memref_slice %arg13[%dma_start3A] : memref<61440xf32, #tpu.memory_space<vmem>> -> memref<5120xf32, #tpu.memory_space<vmem>>
      %dma_start3A_57 = tpu.memref_slice %arg7[%add3A_18] : memref<1966080xf32, #tpu.memory_space<hbm>> -> memref<5120xf32, #tpu.memory_space<hbm>>
      %dma_start3A_58 = arith.constant 15360 : i32
      %dma_start3A_59 = tpu.memref_slice %arg13[%dma_start3A_58] : memref<61440xf32, #tpu.memory_space<vmem>> -> memref<5120xf32, #tpu.memory_space<vmem>>
      %dma_start3A_60 = tpu.memref_slice %arg7[%add3A_18] : memref<1966080xf32, #tpu.memory_space<hbm>> -> memref<5120xf32, #tpu.memory_space<hbm>>
      tpu.enqueue_dma source(%dma_start3A_60 : memref<5120xf32, #tpu.memory_space<hbm>>) target(%dma_start3A_59 : memref<5120xf32, #tpu.memory_space<vmem>>) target_semaphore(%run_scoped3A : memref<!tpu.dma_semaphore, #tpu.memory_space<semaphore_mem>>)
      %dma_wait3A = arith.constant 15360 : i32
      %dma_wait3A_61 = tpu.memref_slice %arg13[%dma_wait3A] : memref<61440xf32, #tpu.memory_space<vmem>> -> memref<5120xf32, #tpu.memory_space<vmem>>
      %dma_wait3A_62 = tpu.memref_slice %arg7[%add3A_18] : memref<1966080xf32, #tpu.memory_space<hbm>> -> memref<5120xf32, #tpu.memory_space<hbm>>
      %dma_wait3A_63 = arith.constant 15360 : i32
      %dma_wait3A_64 = tpu.memref_slice %arg13[%dma_wait3A_63] : memref<61440xf32, #tpu.memory_space<vmem>> -> memref<5120xf32, #tpu.memory_space<vmem>>
      %dma_wait3A_65 = tpu.memref_slice %arg7[%add3A_18] : memref<1966080xf32, #tpu.memory_space<hbm>> -> memref<5120xf32, #tpu.memory_space<hbm>>
      tpu.wait_dma2 semaphore(%run_scoped3A : memref<!tpu.dma_semaphore, #tpu.memory_space<semaphore_mem>>) src(%dma_wait3A_65 : memref<5120xf32, #tpu.memory_space<hbm>>) dst(%dma_wait3A_64 : memref<5120xf32, #tpu.memory_space<vmem>>)
      tpu.yield
    }) : () -> ()
    %mul3A_19 = arith.constant 80 : i32
    %mul3A_20 = arith.muli %mul3A_2, %mul3A_19 : i32
    %add3A_21 = arith.constant 655360 : i32
    %add3A_22 = arith.addi %add3A_21, %mul3A_20 : i32
    "tpu.region"() ({
      %run_scoped3A = tpu.sem_alloc : memref<!tpu.dma_semaphore, #tpu.memory_space<semaphore_mem>>
      %dma_start3A = arith.constant 20480 : i32
      %dma_start3A_56 = tpu.memref_slice %arg13[%dma_start3A] : memref<61440xf32, #tpu.memory_space<vmem>> -> memref<5120xf32, #tpu.memory_space<vmem>>
      %dma_start3A_57 = tpu.memref_slice %arg7[%add3A_22] : memref<1966080xf32, #tpu.memory_space<hbm>> -> memref<5120xf32, #tpu.memory_space<hbm>>
      %dma_start3A_58 = arith.constant 20480 : i32
      %dma_start3A_59 = tpu.memref_slice %arg13[%dma_start3A_58] : memref<61440xf32, #tpu.memory_space<vmem>> -> memref<5120xf32, #tpu.memory_space<vmem>>
      %dma_start3A_60 = tpu.memref_slice %arg7[%add3A_22] : memref<1966080xf32, #tpu.memory_space<hbm>> -> memref<5120xf32, #tpu.memory_space<hbm>>
      tpu.enqueue_dma source(%dma_start3A_60 : memref<5120xf32, #tpu.memory_space<hbm>>) target(%dma_start3A_59 : memref<5120xf32, #tpu.memory_space<vmem>>) target_semaphore(%run_scoped3A : memref<!tpu.dma_semaphore, #tpu.memory_space<semaphore_mem>>)
      %dma_wait3A = arith.constant 20480 : i32
      %dma_wait3A_61 = tpu.memref_slice %arg13[%dma_wait3A] : memref<61440xf32, #tpu.memory_space<vmem>> -> memref<5120xf32, #tpu.memory_space<vmem>>
      %dma_wait3A_62 = tpu.memref_slice %arg7[%add3A_22] : memref<1966080xf32, #tpu.memory_space<hbm>> -> memref<5120xf32, #tpu.memory_space<hbm>>
      %dma_wait3A_63 = arith.constant 20480 : i32
      %dma_wait3A_64 = tpu.memref_slice %arg13[%dma_wait3A_63] : memref<61440xf32, #tpu.memory_space<vmem>> -> memref<5120xf32, #tpu.memory_space<vmem>>
      %dma_wait3A_65 = tpu.memref_slice %arg7[%add3A_22] : memref<1966080xf32, #tpu.memory_space<hbm>> -> memref<5120xf32, #tpu.memory_space<hbm>>
      tpu.wait_dma2 semaphore(%run_scoped3A : memref<!tpu.dma_semaphore, #tpu.memory_space<semaphore_mem>>) src(%dma_wait3A_65 : memref<5120xf32, #tpu.memory_space<hbm>>) dst(%dma_wait3A_64 : memref<5120xf32, #tpu.memory_space<vmem>>)
      tpu.yield
    }) : () -> ()
    %mul3A_23 = arith.constant 80 : i32
    %mul3A_24 = arith.muli %mul3A_2, %mul3A_23 : i32
    %add3A_25 = arith.constant 819200 : i32
    %add3A_26 = arith.addi %add3A_25, %mul3A_24 : i32
    "tpu.region"() ({
      %run_scoped3A = tpu.sem_alloc : memref<!tpu.dma_semaphore, #tpu.memory_space<semaphore_mem>>
      %dma_start3A = arith.constant 25600 : i32
      %dma_start3A_56 = tpu.memref_slice %arg13[%dma_start3A] : memref<61440xf32, #tpu.memory_space<vmem>> -> memref<5120xf32, #tpu.memory_space<vmem>>
      %dma_start3A_57 = tpu.memref_slice %arg7[%add3A_26] : memref<1966080xf32, #tpu.memory_space<hbm>> -> memref<5120xf32, #tpu.memory_space<hbm>>
      %dma_start3A_58 = arith.constant 25600 : i32
      %dma_start3A_59 = tpu.memref_slice %arg13[%dma_start3A_58] : memref<61440xf32, #tpu.memory_space<vmem>> -> memref<5120xf32, #tpu.memory_space<vmem>>
      %dma_start3A_60 = tpu.memref_slice %arg7[%add3A_26] : memref<1966080xf32, #tpu.memory_space<hbm>> -> memref<5120xf32, #tpu.memory_space<hbm>>
      tpu.enqueue_dma source(%dma_start3A_60 : memref<5120xf32, #tpu.memory_space<hbm>>) target(%dma_start3A_59 : memref<5120xf32, #tpu.memory_space<vmem>>) target_semaphore(%run_scoped3A : memref<!tpu.dma_semaphore, #tpu.memory_space<semaphore_mem>>)
      %dma_wait3A = arith.constant 25600 : i32
      %dma_wait3A_61 = tpu.memref_slice %arg13[%dma_wait3A] : memref<61440xf32, #tpu.memory_space<vmem>> -> memref<5120xf32, #tpu.memory_space<vmem>>
      %dma_wait3A_62 = tpu.memref_slice %arg7[%add3A_26] : memref<1966080xf32, #tpu.memory_space<hbm>> -> memref<5120xf32, #tpu.memory_space<hbm>>
      %dma_wait3A_63 = arith.constant 25600 : i32
      %dma_wait3A_64 = tpu.memref_slice %arg13[%dma_wait3A_63] : memref<61440xf32, #tpu.memory_space<vmem>> -> memref<5120xf32, #tpu.memory_space<vmem>>
      %dma_wait3A_65 = tpu.memref_slice %arg7[%add3A_26] : memref<1966080xf32, #tpu.memory_space<hbm>> -> memref<5120xf32, #tpu.memory_space<hbm>>
      tpu.wait_dma2 semaphore(%run_scoped3A : memref<!tpu.dma_semaphore, #tpu.memory_space<semaphore_mem>>) src(%dma_wait3A_65 : memref<5120xf32, #tpu.memory_space<hbm>>) dst(%dma_wait3A_64 : memref<5120xf32, #tpu.memory_space<vmem>>)
      tpu.yield
    }) : () -> ()
    %mul3A_27 = arith.constant 80 : i32
    %mul3A_28 = arith.muli %mul3A_2, %mul3A_27 : i32
    %add3A_29 = arith.constant 983040 : i32
    %add3A_30 = arith.addi %add3A_29, %mul3A_28 : i32
    "tpu.region"() ({
      %run_scoped3A = tpu.sem_alloc : memref<!tpu.dma_semaphore, #tpu.memory_space<semaphore_mem>>
      %dma_start3A = arith.constant 30720 : i32
      %dma_start3A_56 = tpu.memref_slice %arg13[%dma_start3A] : memref<61440xf32, #tpu.memory_space<vmem>> -> memref<5120xf32, #tpu.memory_space<vmem>>
      %dma_start3A_57 = tpu.memref_slice %arg7[%add3A_30] : memref<1966080xf32, #tpu.memory_space<hbm>> -> memref<5120xf32, #tpu.memory_space<hbm>>
      %dma_start3A_58 = arith.constant 30720 : i32
      %dma_start3A_59 = tpu.memref_slice %arg13[%dma_start3A_58] : memref<61440xf32, #tpu.memory_space<vmem>> -> memref<5120xf32, #tpu.memory_space<vmem>>
      %dma_start3A_60 = tpu.memref_slice %arg7[%add3A_30] : memref<1966080xf32, #tpu.memory_space<hbm>> -> memref<5120xf32, #tpu.memory_space<hbm>>
      tpu.enqueue_dma source(%dma_start3A_60 : memref<5120xf32, #tpu.memory_space<hbm>>) target(%dma_start3A_59 : memref<5120xf32, #tpu.memory_space<vmem>>) target_semaphore(%run_scoped3A : memref<!tpu.dma_semaphore, #tpu.memory_space<semaphore_mem>>)
      %dma_wait3A = arith.constant 30720 : i32
      %dma_wait3A_61 = tpu.memref_slice %arg13[%dma_wait3A] : memref<61440xf32, #tpu.memory_space<vmem>> -> memref<5120xf32, #tpu.memory_space<vmem>>
      %dma_wait3A_62 = tpu.memref_slice %arg7[%add3A_30] : memref<1966080xf32, #tpu.memory_space<hbm>> -> memref<5120xf32, #tpu.memory_space<hbm>>
      %dma_wait3A_63 = arith.constant 30720 : i32
      %dma_wait3A_64 = tpu.memref_slice %arg13[%dma_wait3A_63] : memref<61440xf32, #tpu.memory_space<vmem>> -> memref<5120xf32, #tpu.memory_space<vmem>>
      %dma_wait3A_65 = tpu.memref_slice %arg7[%add3A_30] : memref<1966080xf32, #tpu.memory_space<hbm>> -> memref<5120xf32, #tpu.memory_space<hbm>>
      tpu.wait_dma2 semaphore(%run_scoped3A : memref<!tpu.dma_semaphore, #tpu.memory_space<semaphore_mem>>) src(%dma_wait3A_65 : memref<5120xf32, #tpu.memory_space<hbm>>) dst(%dma_wait3A_64 : memref<5120xf32, #tpu.memory_space<vmem>>)
      tpu.yield
    }) : () -> ()
    %mul3A_31 = arith.constant 80 : i32
    %mul3A_32 = arith.muli %mul3A_2, %mul3A_31 : i32
    %add3A_33 = arith.constant 1146880 : i32
    %add3A_34 = arith.addi %add3A_33, %mul3A_32 : i32
    "tpu.region"() ({
      %run_scoped3A = tpu.sem_alloc : memref<!tpu.dma_semaphore, #tpu.memory_space<semaphore_mem>>
      %dma_start3A = arith.constant 35840 : i32
      %dma_start3A_56 = tpu.memref_slice %arg13[%dma_start3A] : memref<61440xf32, #tpu.memory_space<vmem>> -> memref<5120xf32, #tpu.memory_space<vmem>>
      %dma_start3A_57 = tpu.memref_slice %arg7[%add3A_34] : memref<1966080xf32, #tpu.memory_space<hbm>> -> memref<5120xf32, #tpu.memory_space<hbm>>
      %dma_start3A_58 = arith.constant 35840 : i32
      %dma_start3A_59 = tpu.memref_slice %arg13[%dma_start3A_58] : memref<61440xf32, #tpu.memory_space<vmem>> -> memref<5120xf32, #tpu.memory_space<vmem>>
      %dma_start3A_60 = tpu.memref_slice %arg7[%add3A_34] : memref<1966080xf32, #tpu.memory_space<hbm>> -> memref<5120xf32, #tpu.memory_space<hbm>>
      tpu.enqueue_dma source(%dma_start3A_60 : memref<5120xf32, #tpu.memory_space<hbm>>) target(%dma_start3A_59 : memref<5120xf32, #tpu.memory_space<vmem>>) target_semaphore(%run_scoped3A : memref<!tpu.dma_semaphore, #tpu.memory_space<semaphore_mem>>)
      %dma_wait3A = arith.constant 35840 : i32
      %dma_wait3A_61 = tpu.memref_slice %arg13[%dma_wait3A] : memref<61440xf32, #tpu.memory_space<vmem>> -> memref<5120xf32, #tpu.memory_space<vmem>>
      %dma_wait3A_62 = tpu.memref_slice %arg7[%add3A_34] : memref<1966080xf32, #tpu.memory_space<hbm>> -> memref<5120xf32, #tpu.memory_space<hbm>>
      %dma_wait3A_63 = arith.constant 35840 : i32
      %dma_wait3A_64 = tpu.memref_slice %arg13[%dma_wait3A_63] : memref<61440xf32, #tpu.memory_space<vmem>> -> memref<5120xf32, #tpu.memory_space<vmem>>
      %dma_wait3A_65 = tpu.memref_slice %arg7[%add3A_34] : memref<1966080xf32, #tpu.memory_space<hbm>> -> memref<5120xf32, #tpu.memory_space<hbm>>
      tpu.wait_dma2 semaphore(%run_scoped3A : memref<!tpu.dma_semaphore, #tpu.memory_space<semaphore_mem>>) src(%dma_wait3A_65 : memref<5120xf32, #tpu.memory_space<hbm>>) dst(%dma_wait3A_64 : memref<5120xf32, #tpu.memory_space<vmem>>)
      tpu.yield
    }) : () -> ()
    %mul3A_35 = arith.constant 80 : i32
    %mul3A_36 = arith.muli %mul3A_2, %mul3A_35 : i32
    %add3A_37 = arith.constant 1310720 : i32
    %add3A_38 = arith.addi %add3A_37, %mul3A_36 : i32
    "tpu.region"() ({
      %run_scoped3A = tpu.sem_alloc : memref<!tpu.dma_semaphore, #tpu.memory_space<semaphore_mem>>
      %dma_start3A = arith.constant 40960 : i32
      %dma_start3A_56 = tpu.memref_slice %arg13[%dma_start3A] : memref<61440xf32, #tpu.memory_space<vmem>> -> memref<5120xf32, #tpu.memory_space<vmem>>
      %dma_start3A_57 = tpu.memref_slice %arg7[%add3A_38] : memref<1966080xf32, #tpu.memory_space<hbm>> -> memref<5120xf32, #tpu.memory_space<hbm>>
      %dma_start3A_58 = arith.constant 40960 : i32
      %dma_start3A_59 = tpu.memref_slice %arg13[%dma_start3A_58] : memref<61440xf32, #tpu.memory_space<vmem>> -> memref<5120xf32, #tpu.memory_space<vmem>>
      %dma_start3A_60 = tpu.memref_slice %arg7[%add3A_38] : memref<1966080xf32, #tpu.memory_space<hbm>> -> memref<5120xf32, #tpu.memory_space<hbm>>
      tpu.enqueue_dma source(%dma_start3A_60 : memref<5120xf32, #tpu.memory_space<hbm>>) target(%dma_start3A_59 : memref<5120xf32, #tpu.memory_space<vmem>>) target_semaphore(%run_scoped3A : memref<!tpu.dma_semaphore, #tpu.memory_space<semaphore_mem>>)
      %dma_wait3A = arith.constant 40960 : i32
      %dma_wait3A_61 = tpu.memref_slice %arg13[%dma_wait3A] : memref<61440xf32, #tpu.memory_space<vmem>> -> memref<5120xf32, #tpu.memory_space<vmem>>
      %dma_wait3A_62 = tpu.memref_slice %arg7[%add3A_38] : memref<1966080xf32, #tpu.memory_space<hbm>> -> memref<5120xf32, #tpu.memory_space<hbm>>
      %dma_wait3A_63 = arith.constant 40960 : i32
      %dma_wait3A_64 = tpu.memref_slice %arg13[%dma_wait3A_63] : memref<61440xf32, #tpu.memory_space<vmem>> -> memref<5120xf32, #tpu.memory_space<vmem>>
      %dma_wait3A_65 = tpu.memref_slice %arg7[%add3A_38] : memref<1966080xf32, #tpu.memory_space<hbm>> -> memref<5120xf32, #tpu.memory_space<hbm>>
      tpu.wait_dma2 semaphore(%run_scoped3A : memref<!tpu.dma_semaphore, #tpu.memory_space<semaphore_mem>>) src(%dma_wait3A_65 : memref<5120xf32, #tpu.memory_space<hbm>>) dst(%dma_wait3A_64 : memref<5120xf32, #tpu.memory_space<vmem>>)
      tpu.yield
    }) : () -> ()
    %mul3A_39 = arith.constant 80 : i32
    %mul3A_40 = arith.muli %mul3A_2, %mul3A_39 : i32
    %add3A_41 = arith.constant 1474560 : i32
    %add3A_42 = arith.addi %add3A_41, %mul3A_40 : i32
    "tpu.region"() ({
      %run_scoped3A = tpu.sem_alloc : memref<!tpu.dma_semaphore, #tpu.memory_space<semaphore_mem>>
      %dma_start3A = arith.constant 46080 : i32
      %dma_start3A_56 = tpu.memref_slice %arg13[%dma_start3A] : memref<61440xf32, #tpu.memory_space<vmem>> -> memref<5120xf32, #tpu.memory_space<vmem>>
      %dma_start3A_57 = tpu.memref_slice %arg7[%add3A_42] : memref<1966080xf32, #tpu.memory_space<hbm>> -> memref<5120xf32, #tpu.memory_space<hbm>>
      %dma_start3A_58 = arith.constant 46080 : i32
      %dma_start3A_59 = tpu.memref_slice %arg13[%dma_start3A_58] : memref<61440xf32, #tpu.memory_space<vmem>> -> memref<5120xf32, #tpu.memory_space<vmem>>
      %dma_start3A_60 = tpu.memref_slice %arg7[%add3A_42] : memref<1966080xf32, #tpu.memory_space<hbm>> -> memref<5120xf32, #tpu.memory_space<hbm>>
      tpu.enqueue_dma source(%dma_start3A_60 : memref<5120xf32, #tpu.memory_space<hbm>>) target(%dma_start3A_59 : memref<5120xf32, #tpu.memory_space<vmem>>) target_semaphore(%run_scoped3A : memref<!tpu.dma_semaphore, #tpu.memory_space<semaphore_mem>>)
      %dma_wait3A = arith.constant 46080 : i32
      %dma_wait3A_61 = tpu.memref_slice %arg13[%dma_wait3A] : memref<61440xf32, #tpu.memory_space<vmem>> -> memref<5120xf32, #tpu.memory_space<vmem>>
      %dma_wait3A_62 = tpu.memref_slice %arg7[%add3A_42] : memref<1966080xf32, #tpu.memory_space<hbm>> -> memref<5120xf32, #tpu.memory_space<hbm>>
      %dma_wait3A_63 = arith.constant 46080 : i32
      %dma_wait3A_64 = tpu.memref_slice %arg13[%dma_wait3A_63] : memref<61440xf32, #tpu.memory_space<vmem>> -> memref<5120xf32, #tpu.memory_space<vmem>>
      %dma_wait3A_65 = tpu.memref_slice %arg7[%add3A_42] : memref<1966080xf32, #tpu.memory_space<hbm>> -> memref<5120xf32, #tpu.memory_space<hbm>>
      tpu.wait_dma2 semaphore(%run_scoped3A : memref<!tpu.dma_semaphore, #tpu.memory_space<semaphore_mem>>) src(%dma_wait3A_65 : memref<5120xf32, #tpu.memory_space<hbm>>) dst(%dma_wait3A_64 : memref<5120xf32, #tpu.memory_space<vmem>>)
      tpu.yield
    }) : () -> ()
    %mul3A_43 = arith.constant 80 : i32
    %mul3A_44 = arith.muli %mul3A_2, %mul3A_43 : i32
    %add3A_45 = arith.constant 1638400 : i32
    %add3A_46 = arith.addi %add3A_45, %mul3A_44 : i32
    "tpu.region"() ({
      %run_scoped3A = tpu.sem_alloc : memref<!tpu.dma_semaphore, #tpu.memory_space<semaphore_mem>>
      %dma_start3A = arith.constant 51200 : i32
      %dma_start3A_56 = tpu.memref_slice %arg13[%dma_start3A] : memref<61440xf32, #tpu.memory_space<vmem>> -> memref<5120xf32, #tpu.memory_space<vmem>>
      %dma_start3A_57 = tpu.memref_slice %arg7[%add3A_46] : memref<1966080xf32, #tpu.memory_space<hbm>> -> memref<5120xf32, #tpu.memory_space<hbm>>
      %dma_start3A_58 = arith.constant 51200 : i32
      %dma_start3A_59 = tpu.memref_slice %arg13[%dma_start3A_58] : memref<61440xf32, #tpu.memory_space<vmem>> -> memref<5120xf32, #tpu.memory_space<vmem>>
      %dma_start3A_60 = tpu.memref_slice %arg7[%add3A_46] : memref<1966080xf32, #tpu.memory_space<hbm>> -> memref<5120xf32, #tpu.memory_space<hbm>>
      tpu.enqueue_dma source(%dma_start3A_60 : memref<5120xf32, #tpu.memory_space<hbm>>) target(%dma_start3A_59 : memref<5120xf32, #tpu.memory_space<vmem>>) target_semaphore(%run_scoped3A : memref<!tpu.dma_semaphore, #tpu.memory_space<semaphore_mem>>)
      %dma_wait3A = arith.constant 51200 : i32
      %dma_wait3A_61 = tpu.memref_slice %arg13[%dma_wait3A] : memref<61440xf32, #tpu.memory_space<vmem>> -> memref<5120xf32, #tpu.memory_space<vmem>>
      %dma_wait3A_62 = tpu.memref_slice %arg7[%add3A_46] : memref<1966080xf32, #tpu.memory_space<hbm>> -> memref<5120xf32, #tpu.memory_space<hbm>>
      %dma_wait3A_63 = arith.constant 51200 : i32
      %dma_wait3A_64 = tpu.memref_slice %arg13[%dma_wait3A_63] : memref<61440xf32, #tpu.memory_space<vmem>> -> memref<5120xf32, #tpu.memory_space<vmem>>
      %dma_wait3A_65 = tpu.memref_slice %arg7[%add3A_46] : memref<1966080xf32, #tpu.memory_space<hbm>> -> memref<5120xf32, #tpu.memory_space<hbm>>
      tpu.wait_dma2 semaphore(%run_scoped3A : memref<!tpu.dma_semaphore, #tpu.memory_space<semaphore_mem>>) src(%dma_wait3A_65 : memref<5120xf32, #tpu.memory_space<hbm>>) dst(%dma_wait3A_64 : memref<5120xf32, #tpu.memory_space<vmem>>)
      tpu.yield
    }) : () -> ()
    %mul3A_47 = arith.constant 80 : i32
    %mul3A_48 = arith.muli %mul3A_2, %mul3A_47 : i32
    %add3A_49 = arith.constant 1802240 : i32
    %add3A_50 = arith.addi %add3A_49, %mul3A_48 : i32
    "tpu.region"() ({
      %run_scoped3A = tpu.sem_alloc : memref<!tpu.dma_semaphore, #tpu.memory_space<semaphore_mem>>
      %dma_start3A = arith.constant 56320 : i32
      %dma_start3A_56 = tpu.memref_slice %arg13[%dma_start3A] : memref<61440xf32, #tpu.memory_space<vmem>> -> memref<5120xf32, #tpu.memory_space<vmem>>
      %dma_start3A_57 = tpu.memref_slice %arg7[%add3A_50] : memref<1966080xf32, #tpu.memory_space<hbm>> -> memref<5120xf32, #tpu.memory_space<hbm>>
      %dma_start3A_58 = arith.constant 56320 : i32
      %dma_start3A_59 = tpu.memref_slice %arg13[%dma_start3A_58] : memref<61440xf32, #tpu.memory_space<vmem>> -> memref<5120xf32, #tpu.memory_space<vmem>>
      %dma_start3A_60 = tpu.memref_slice %arg7[%add3A_50] : memref<1966080xf32, #tpu.memory_space<hbm>> -> memref<5120xf32, #tpu.memory_space<hbm>>
      tpu.enqueue_dma source(%dma_start3A_60 : memref<5120xf32, #tpu.memory_space<hbm>>) target(%dma_start3A_59 : memref<5120xf32, #tpu.memory_space<vmem>>) target_semaphore(%run_scoped3A : memref<!tpu.dma_semaphore, #tpu.memory_space<semaphore_mem>>)
      %dma_wait3A = arith.constant 56320 : i32
      %dma_wait3A_61 = tpu.memref_slice %arg13[%dma_wait3A] : memref<61440xf32, #tpu.memory_space<vmem>> -> memref<5120xf32, #tpu.memory_space<vmem>>
      %dma_wait3A_62 = tpu.memref_slice %arg7[%add3A_50] : memref<1966080xf32, #tpu.memory_space<hbm>> -> memref<5120xf32, #tpu.memory_space<hbm>>
      %dma_wait3A_63 = arith.constant 56320 : i32
      %dma_wait3A_64 = tpu.memref_slice %arg13[%dma_wait3A_63] : memref<61440xf32, #tpu.memory_space<vmem>> -> memref<5120xf32, #tpu.memory_space<vmem>>
      %dma_wait3A_65 = tpu.memref_slice %arg7[%add3A_50] : memref<1966080xf32, #tpu.memory_space<hbm>> -> memref<5120xf32, #tpu.memory_space<hbm>>
      tpu.wait_dma2 semaphore(%run_scoped3A : memref<!tpu.dma_semaphore, #tpu.memory_space<semaphore_mem>>) src(%dma_wait3A_65 : memref<5120xf32, #tpu.memory_space<hbm>>) dst(%dma_wait3A_64 : memref<5120xf32, #tpu.memory_space<vmem>>)
      tpu.yield
    }) : () -> ()
    %iota3A = tpu.iota {dimensions = array<i32: 0>} : vector<16xi32>
    %scan3A = arith.constant 0 : i32
    %scan3A_51 = arith.constant 0 : i32
    %scan3A_52 = arith.constant 12 : i32
    %scan3A_53 = arith.addi %scan3A_51, %scan3A_52 : i32
    %scan3A_54 = arith.constant 1 : i32
    scf.for %scan3A_56 = %scan3A_51 to %scan3A_53 step %scan3A_54  : i32 {
      %scan3A_57 = arith.constant 0 : i32
      %scan3A_58 = arith.constant 0 : i32
      %scan3A_59 = arith.constant 4 : i32
      %scan3A_60 = arith.addi %scan3A_58, %scan3A_59 : i32
      %scan3A_61 = arith.constant 1 : i32
      scf.for %scan3A_69 = %scan3A_58 to %scan3A_60 step %scan3A_61  : i32 {
        %mul3A_70 = arith.constant 16 : i32
        %mul3A_71 = arith.muli %scan3A_69, %mul3A_70 : i32
        %add3A_72 = vector.broadcast %mul3A_71 : i32 to vector<16xi32>
        %add3A_73 = arith.addi %add3A_72, %iota3A : vector<16xi32>
        %mul3A_74 = arith.constant 64 : i32
        %mul3A_75 = arith.muli %scan3A_56, %mul3A_74 : i32
        %mul3A_76 = arith.constant 80 : i32
        %mul3A_77 = arith.muli %mul3A_75, %mul3A_76 : i32
        %mul3A_78 = arith.constant 80 : i32
        %mul3A_79 = vector.broadcast %mul3A_78 : i32 to vector<16xi32>
        %mul3A_80 = arith.muli %add3A_73, %mul3A_79 : vector<16xi32>
        %add3A_81 = vector.broadcast %mul3A_77 : i32 to vector<16xi32>
        %add3A_82 = arith.addi %add3A_81, %mul3A_80 : vector<16xi32>
        %scan3A_83 = arith.constant 0 : i32
        %scan3A_84 = arith.constant 0 : i32
        %scan3A_85 = arith.constant 80 : i32
        %scan3A_86 = arith.addi %scan3A_84, %scan3A_85 : i32
        %scan3A_87 = arith.constant 1 : i32
        scf.for %scan3A_89 = %scan3A_84 to %scan3A_86 step %scan3A_87  : i32 {
          %add3A_90 = vector.broadcast %scan3A_89 : i32 to vector<16xi32>
          %add3A_91 = arith.addi %add3A_82, %add3A_90 : vector<16xi32>
          %gather3A = tpu.vector_load_idx %arg13[%add3A_91] : memref<61440xf32, #tpu.memory_space<vmem>>[vector<16xi32>], vector<16xf32>,
          %broadcast_in_dim3A = arith.constant 72 : i32
          %broadcast_in_dim3A_92 = vector.broadcast %broadcast_in_dim3A : i32 to vector<16xi32>
          %add3A_93 = vector.broadcast %scan3A_89 : i32 to vector<16xi32>
          %add3A_94 = arith.addi %broadcast_in_dim3A_92, %add3A_93 : vector<16xi32>
          tpu.vector_store_idx %arg15[%add3A_73, %add3A_94], %gather3A : memref<64x152xf32, #tpu.memory_space<vmem>>[vector<16xi32>, vector<16xi32>], vector<16xf32>,
        }
        %scan3A_88 = arith.constant 80 : i32
      }
      %scan3A_62 = arith.constant 4 : i32
      %scan3A_63 = arith.constant 0 : i32
      %scan3A_64 = arith.constant 0 : i32
      %scan3A_65 = arith.constant 32 : i32
      %scan3A_66 = arith.addi %scan3A_64, %scan3A_65 : i32
      %scan3A_67 = arith.constant 1 : i32
      scf.for %scan3A_69 = %scan3A_64 to %scan3A_66 step %scan3A_67  : i32 {
        %mul3A_70 = arith.constant 12 : i32
        %mul3A_71 = arith.muli %scan3A_69, %mul3A_70 : i32
        %add3A_72 = arith.addi %mul3A_71, %scan3A_56 : i32
        %mul3A_73 = arith.constant 2048 : i32
        %mul3A_74 = arith.muli %add3A_72, %mul3A_73 : i32
        %add3A_75 = arith.addi %mul3A_74, %mul3A_2 : i32
        %mul3A_76 = arith.constant 3 : i32
        %mul3A_77 = arith.muli %add3A_75, %mul3A_76 : i32
        "tpu.region"() ({
          %run_scoped3A = tpu.sem_alloc : memref<!tpu.dma_semaphore, #tpu.memory_space<semaphore_mem>>
          %dma_start3A = tpu.memref_slice %arg2[%mul3A_77] : memref<2359296xf32, #tpu.memory_space<hbm>> -> memref<192xf32, #tpu.memory_space<hbm>>
          %dma_start3A_84 = tpu.memref_slice %arg2[%mul3A_77] : memref<2359296xf32, #tpu.memory_space<hbm>> -> memref<192xf32, #tpu.memory_space<hbm>>
          tpu.enqueue_dma source(%dma_start3A_84 : memref<192xf32, #tpu.memory_space<hbm>>) target(%arg14 : memref<192xf32, #tpu.memory_space<vmem>>) target_semaphore(%run_scoped3A : memref<!tpu.dma_semaphore, #tpu.memory_space<semaphore_mem>>)
          %dma_wait3A = tpu.memref_slice %arg2[%mul3A_77] : memref<2359296xf32, #tpu.memory_space<hbm>> -> memref<192xf32, #tpu.memory_space<hbm>>
          %dma_wait3A_85 = tpu.memref_slice %arg2[%mul3A_77] : memref<2359296xf32, #tpu.memory_space<hbm>> -> memref<192xf32, #tpu.memory_space<hbm>>
          tpu.wait_dma2 semaphore(%run_scoped3A : memref<!tpu.dma_semaphore, #tpu.memory_space<semaphore_mem>>) src(%dma_wait3A_85 : memref<192xf32, #tpu.memory_space<hbm>>) dst(%arg14 : memref<192xf32, #tpu.memory_space<vmem>>)
          tpu.yield
        }) : () -> ()
        %scan3A_78 = arith.constant 0 : i32
        %scan3A_79 = arith.constant 0 : i32
        %scan3A_80 = arith.constant 4 : i32
        %scan3A_81 = arith.addi %scan3A_79, %scan3A_80 : i32
        %scan3A_82 = arith.constant 1 : i32
        scf.for %scan3A_84 = %scan3A_79 to %scan3A_81 step %scan3A_82  : i32 {
          %mul3A_85 = arith.constant 16 : i32
          %mul3A_86 = arith.muli %scan3A_84, %mul3A_85 : i32
          %add3A_87 = vector.broadcast %mul3A_86 : i32 to vector<16xi32>
          %add3A_88 = arith.addi %add3A_87, %iota3A : vector<16xi32>
          %mul3A_89 = arith.constant 3 : i32
          %mul3A_90 = vector.broadcast %mul3A_89 : i32 to vector<16xi32>
          %mul3A_91 = arith.muli %add3A_88, %mul3A_90 : vector<16xi32>
          %gather3A = tpu.vector_load_idx %arg14[%mul3A_91] : memref<192xf32, #tpu.memory_space<vmem>>[vector<16xi32>], vector<16xf32>,
          %add3A_92 = arith.constant 1 : i32
          %add3A_93 = vector.broadcast %add3A_92 : i32 to vector<16xi32>
          %add3A_94 = arith.addi %mul3A_91, %add3A_93 : vector<16xi32>
          %gather3A_95 = tpu.vector_load_idx %arg14[%add3A_94] : memref<192xf32, #tpu.memory_space<vmem>>[vector<16xi32>], vector<16xf32>,
          %add3A_96 = arith.constant 2 : i32
          %add3A_97 = vector.broadcast %add3A_96 : i32 to vector<16xi32>
          %add3A_98 = arith.addi %mul3A_91, %add3A_97 : vector<16xi32>
          %gather3A_99 = tpu.vector_load_idx %arg14[%add3A_98] : memref<192xf32, #tpu.memory_space<vmem>>[vector<16xi32>], vector<16xf32>,
          %mul3A_100 = arith.constant 2.880000e+02 : f32
          %mul3A_101 = vector.broadcast %mul3A_100 : f32 to vector<16xf32>
          %mul3A_102 = arith.mulf %gather3A_95, %mul3A_101 : vector<16xf32>
          %convert_element_type3A = arith.fptosi %mul3A_102 : vector<16xf32> to vector<16xi32>
          %mul3A_103 = arith.constant 24 : i32
          %mul3A_104 = vector.broadcast %mul3A_103 : i32 to vector<16xi32>
          %mul3A_105 = arith.muli %convert_element_type3A, %mul3A_104 : vector<16xi32>
          %convert_element_type3A_106 = arith.fptosi %gather3A_99 : vector<16xf32> to vector<16xi32>
          %mul3A_107 = arith.constant 24 : i32
          %mul3A_108 = vector.broadcast %mul3A_107 : i32 to vector<16xi32>
          %mul3A_109 = arith.muli %convert_element_type3A_106, %mul3A_108 : vector<16xi32>
          %scan3A_110 = arith.constant 0 : i32
          %scan3A_111 = arith.constant 0 : i32
          %scan3A_112 = arith.constant 24 : i32
          %scan3A_113 = arith.addi %scan3A_111, %scan3A_112 : i32
          %scan3A_114 = arith.constant 1 : i32
          scf.for %scan3A_116 = %scan3A_111 to %scan3A_113 step %scan3A_114  : i32 {
            %broadcast_in_dim3A = vector.broadcast %scan3A_116 : i32 to vector<16xi32>
            %gather3A_117 = tpu.vector_load_idx %arg9[%broadcast_in_dim3A] : memref<72xf32, #tpu.memory_space<vmem>>[vector<16xi32>], vector<16xf32>,
            %add3A_118 = arith.constant 24 : i32
            %add3A_119 = vector.broadcast %add3A_118 : i32 to vector<16xi32>
            %add3A_120 = arith.addi %broadcast_in_dim3A, %add3A_119 : vector<16xi32>
            %gather3A_121 = tpu.vector_load_idx %arg9[%add3A_120] : memref<72xf32, #tpu.memory_space<vmem>>[vector<16xi32>], vector<16xf32>,
            %add3A_122 = arith.constant 48 : i32
            %add3A_123 = vector.broadcast %add3A_122 : i32 to vector<16xi32>
            %add3A_124 = arith.addi %broadcast_in_dim3A, %add3A_123 : vector<16xi32>
            %gather3A_125 = tpu.vector_load_idx %arg9[%add3A_124] : memref<72xf32, #tpu.memory_space<vmem>>[vector<16xi32>], vector<16xf32>,
            %gather3A_126 = tpu.vector_load_idx %arg10[%broadcast_in_dim3A] : memref<24xf32, #tpu.memory_space<vmem>>[vector<16xi32>], vector<16xf32>,
            %mul3A_127 = arith.mulf %gather3A, %gather3A_117 : vector<16xf32>
            %mul3A_128 = arith.mulf %gather3A_95, %gather3A_121 : vector<16xf32>
            %add3A_129 = arith.addf %mul3A_127, %mul3A_128 : vector<16xf32>
            %mul3A_130 = arith.mulf %gather3A_99, %gather3A_125 : vector<16xf32>
            %add3A_131 = arith.addf %add3A_129, %mul3A_130 : vector<16xf32>
            %add3A_132 = arith.addf %add3A_131, %gather3A_126 : vector<16xf32>
            tpu.vector_store_idx %arg15[%add3A_88, %broadcast_in_dim3A], %add3A_132 : memref<64x152xf32, #tpu.memory_space<vmem>>[vector<16xi32>, vector<16xi32>], vector<16xf32>,
            %add3A_133 = vector.broadcast %scan3A_116 : i32 to vector<16xi32>
            %add3A_134 = arith.addi %mul3A_105, %add3A_133 : vector<16xi32>
            %gather3A_135 = tpu.vector_load_idx %arg11[%add3A_134] : memref<6912xf32, #tpu.memory_space<vmem>>[vector<16xi32>], vector<16xf32>,
            %add3A_136 = arith.constant 24 : i32
            %add3A_137 = vector.broadcast %add3A_136 : i32 to vector<16xi32>
            %add3A_138 = arith.addi %broadcast_in_dim3A, %add3A_137 : vector<16xi32>
            tpu.vector_store_idx %arg15[%add3A_88, %add3A_138], %gather3A_135 : memref<64x152xf32, #tpu.memory_space<vmem>>[vector<16xi32>, vector<16xi32>], vector<16xf32>,
            %add3A_139 = vector.broadcast %scan3A_116 : i32 to vector<16xi32>
            %add3A_140 = arith.addi %mul3A_109, %add3A_139 : vector<16xi32>
            %gather3A_141 = tpu.vector_load_idx %arg12[%add3A_140] : memref<168xf32, #tpu.memory_space<vmem>>[vector<16xi32>], vector<16xf32>,
            %add3A_142 = arith.constant 48 : i32
            %add3A_143 = vector.broadcast %add3A_142 : i32 to vector<16xi32>
            %add3A_144 = arith.addi %broadcast_in_dim3A, %add3A_143 : vector<16xi32>
            tpu.vector_store_idx %arg15[%add3A_88, %add3A_144], %gather3A_141 : memref<64x152xf32, #tpu.memory_space<vmem>>[vector<16xi32>, vector<16xi32>], vector<16xf32>,
          }
          %scan3A_115 = arith.constant 24 : i32
        }
        %scan3A_83 = arith.constant 4 : i32
        "tpu.region"() ({
          %run_scoped3A = tpu.sem_alloc : memref<!tpu.dma_semaphore, #tpu.memory_space<semaphore_mem>>
          %dma_start3A = arith.constant 0 : i32
          %dma_start3A_84 = tpu.memref_slice %arg8[%scan3A_69, %scan3A_56, %mul3A_2, %dma_start3A] : memref<32x12x2048x152xf32, #tpu.memory_space<hbm>> -> memref<1x1x64x152xf32, #tpu.memory_space<hbm>>
          %dma_start3A_85 = tpu.memref_squeeze %dma_start3A_84 : memref<1x1x64x152xf32, #tpu.memory_space<hbm>> -> memref<64x152xf32, #tpu.memory_space<hbm>>
          %dma_start3A_86 = arith.constant 0 : i32
          %dma_start3A_87 = tpu.memref_slice %arg8[%scan3A_69, %scan3A_56, %mul3A_2, %dma_start3A_86] : memref<32x12x2048x152xf32, #tpu.memory_space<hbm>> -> memref<1x1x64x152xf32, #tpu.memory_space<hbm>>
          %dma_start3A_88 = tpu.memref_squeeze %dma_start3A_87 : memref<1x1x64x152xf32, #tpu.memory_space<hbm>> -> memref<64x152xf32, #tpu.memory_space<hbm>>
          tpu.enqueue_dma source(%arg15 : memref<64x152xf32, #tpu.memory_space<vmem>>) target(%dma_start3A_88 : memref<64x152xf32, #tpu.memory_space<hbm>>) target_semaphore(%run_scoped3A : memref<!tpu.dma_semaphore, #tpu.memory_space<semaphore_mem>>)
          %dma_wait3A = arith.constant 0 : i32
          %dma_wait3A_89 = tpu.memref_slice %arg8[%scan3A_69, %scan3A_56, %mul3A_2, %dma_wait3A] : memref<32x12x2048x152xf32, #tpu.memory_space<hbm>> -> memref<1x1x64x152xf32, #tpu.memory_space<hbm>>
          %dma_wait3A_90 = tpu.memref_squeeze %dma_wait3A_89 : memref<1x1x64x152xf32, #tpu.memory_space<hbm>> -> memref<64x152xf32, #tpu.memory_space<hbm>>
          %dma_wait3A_91 = arith.constant 0 : i32
          %dma_wait3A_92 = tpu.memref_slice %arg8[%scan3A_69, %scan3A_56, %mul3A_2, %dma_wait3A_91] : memref<32x12x2048x152xf32, #tpu.memory_space<hbm>> -> memref<1x1x64x152xf32, #tpu.memory_space<hbm>>
          %dma_wait3A_93 = tpu.memref_squeeze %dma_wait3A_92 : memref<1x1x64x152xf32, #tpu.memory_space<hbm>> -> memref<64x152xf32, #tpu.memory_space<hbm>>
          tpu.wait_dma2 semaphore(%run_scoped3A : memref<!tpu.dma_semaphore, #tpu.memory_space<semaphore_mem>>) src(%arg15 : memref<64x152xf32, #tpu.memory_space<vmem>>) dst(%dma_wait3A_93 : memref<64x152xf32, #tpu.memory_space<hbm>>)
          tpu.yield
        }) : () -> ()
      }
      %scan3A_68 = arith.constant 32 : i32
    }
    %scan3A_55 = arith.constant 12 : i32
    return
  }
}

</mosaic_0001>

<sc_bundles>
// kernel: kernel.3.cloned.1.call-start
scs
__scs_entry_jumppad:
0x0: {  	(pc) =	sbr.rel $0x88, $3  }
0x1: {  	(tag) =	ssettag $0x0;
	lr =	simm.s32 $0x1  }
0x2: {  	[smem:$0x3F9B] =	sst lr;
	_ =	strace $0xD0000000  }
0x3: {  	_ = 	snop  }
0x4: {  	_ = 	snop  }
0x5: {  	_ = 	snop  }
0x6: {  	_ = 	snop  }
0x7: {  	_ = 	snop  }
__scs_overlays_trampoline_lowered:
0x8: {  	[smem:$0x3FAA] =	sst s0  }
0x9: {  	[smem:$0x3FAB] =	sst s1  }
0xa: {  	[smem:$0x3FAC] =	sst s2  }
0xb: {  	[smem:$0x3FAD] =	sst s3  }
0xc: {  	[smem:$0x3FAE] =	sst s4  }
0xd: {  	[smem:$0x3FAF] =	sst s5  }
0xe: {  	[smem:$0x3FB0] =	sst s6  }
0xf: {  	[smem:$0x3FB1] =	sst s7  }
0x10: {  	[smem:$0x3FB2] =	sst s8  }
0x11: {  	[smem:$0x3FB3] =	sst s9;
	s0 =	simm.s32 @!p0 $0x0  }
0x12: {  	s1 =	sld [smem:$0x3F99];
	s0 =	simm.s32 @p0 $0x1  }
0x13: {  	[smem:$0x3FB4] =	sst s0;
	s0 =	simm.s32 @!p1 $0x0  }
0x14: {  	s2 =	sld [smem:$0x3F98];
	s0 =	simm.s32 @p1 $0x1  }
0x15: {  	[smem:$0x3FB5] =	sst s0;
	s0 =	simm.s32 @!p2 $0x0  }
0x16: {  	s3 =	sld [smem:$0x3FDB];
	s0 =	simm.s32 @p2 $0x1  }
0x17: {  	s4 =	simm.s32 $0x1BF5;
	[smem:$0x3FB7] =	sst s0  }
0x18: {  	s0 =	sld [smem:$0x3F9A];
	_ =	swait.ge [sflag:s4], $0x0  }
0x19: {  	s7 =	sld [smem:$0x3F9B]  }
0x1a: {  	s8 =	sadd.s32 $0xFFFFE003, lr  }
0x1b: {  	s9 =	sadd.s32 $0xFFFFFEF7, lr;
	s5 =	simm.s32 $0xFFFFFFFF;
	p2 =	slt.u32 s8, $0xFFFFF086  }
0x1c: {  	p1 =	slt.u32 s9, $0xF7A;
	s5 =	simm.s32 @!p2 $0x0  }
0x1d: {  	s5 =	simm.s32 @p1 $0x1;
	p0 =	seq.s32 s7, s2  }
0x1e: {  	s7 =	smul.u32 @!p0 $0xF7A, s2;
	p2 =	seq.s32 @!p0 s5, $0x0  }
0x1f: {  	s9 =	smul.u32 $0xF7A, s1;
	s8 =	simm.s32 @!p0 $0x1BF5;
	p2 =	por !p2, p0  }
0x20: {  	[sflag:s8] =	ssyncset.s32 @!p0 $0xFFFFF086;
	s6 =	sadd.s32 @!p0 s3, s7;
	s7 =	simm.s32 @!p0 $0x108  }
0x21: {  	s3 =	sadd.s32 s3, s9;
	s6 =	sadd.s32 @!p0 $0x88, s6;
	s7 =	simm.s32 @p2 $0x1082  }
0x22: {  	[simem:s7], [sflag:s8] =	dma.local @!p0 [hbm:s6], $0xF7A  }
0x23: {  	s9 =	sor.u32 $0xD0000000, s2;
	s6 =	simm.s32 $0x108;
	_ =	swait.ge @!p0 [sflag:s8], $0x0  }
0x24: {  	s3 =	sadd.s32 $0x88, s3;
	s6 =	simm.s32 @!p1 $0x1082;
	[sflag:s4] =	ssyncset.s32 $0xFFFFF086  }
0x25: {  	[simem:s6], [sflag:s4] =	dma.local [hbm:s3], $0xF7A  }
0x26: {  	[smem:$0x3F9B] =	sst s1;
	(tag) =	ssettag s2;
	_ =	strace s9  }
0x27: {  	s1 =	sld [smem:$0x3FAB]  }
0x28: {  	s2 =	sld [smem:$0x3FAC]  }
0x29: {  	s4 =	sld [smem:$0x3FAE]  }
0x2a: {  	p0 =	seq.s32 s5, $0x0;
	s5 =	sld [smem:$0x3FAF]  }
0x2b: {  	s6 =	sld [smem:$0x3FB0]  }
0x2c: {  	s7 =	sld [smem:$0x3FB1]  }
0x2d: {  	s3 =	simm.s32 $0x108;
	s8 =	sld [smem:$0x3FB2]  }
0x2e: {  	s3 =	simm.s32 @!p0 $0x1082;
	s9 =	sld [smem:$0x3FB3]  }
0x2f: {  	lr =	sadd.s32 s0, s3;
	s0 =	sld [smem:$0x3FAA]  }
0x30: {  	s3 =	sld [smem:$0x3FAD]  }
0x31: {  	[smem:$0x3FB6] =	sst s10  }
0x32: {  	s10 =	sld [smem:$0x3FB4];
	_ =	sdelay $0x3  }
0x33: {  	p0 =	seq.s32 s10, $0x1;
	s10 =	sld [smem:$0x3FB6];
	_ =	sdelay $0x3  }
0x34: {  	[smem:$0x3FB6] =	sst s10  }
0x35: {  	s10 =	sld [smem:$0x3FB5];
	_ =	sdelay $0x3  }
0x36: {  	p1 =	seq.s32 s10, $0x1;
	s10 =	sld [smem:$0x3FB6];
	_ =	sdelay $0x3  }
0x37: {  	[smem:$0x3FB6] =	sst s10  }
0x38: {  	s10 =	sld [smem:$0x3FB7]  }
0x39: {  	_ = 	snop;
	(pc) =	sbr.ind lr, $3  }
0x3a: {  	_ = 	snop  }
0x3b: {  	_ = 	snop  }
0x3c: {  	p2 =	seq.s32 s10, $0x1;
	s10 =	sld [smem:$0x3FB6]  }
0x3d: {  	_ =	shalt  }
0x3e: {  	_ =	shalt  }
0x3f: {  	_ =	shalt  }
0x40: {  	_ =	shalt  }
0x41: {  	_ =	shalt  }
0x42: {  	_ =	shalt  }
0x43: {  	_ =	shalt  }
0x44: {  	_ =	shalt  }
0x45: {  	_ =	shalt  }
0x46: {  	_ =	shalt  }
0x47: {  	_ =	shalt  }
0x48: {  	_ =	shalt  }
0x49: {  	_ =	shalt  }
0x4a: {  	_ =	shalt  }
0x4b: {  	_ =	shalt  }
0x4c: {  	_ =	shalt  }
0x4d: {  	_ =	shalt  }
0x4e: {  	_ =	shalt  }
0x4f: {  	_ =	shalt  }
0x50: {  	_ =	shalt  }
0x51: {  	_ =	shalt  }
0x52: {  	_ =	shalt  }
0x53: {  	_ =	shalt  }
0x54: {  	_ =	shalt  }
0x55: {  	_ =	shalt  }
0x56: {  	_ =	shalt  }
0x57: {  	_ =	shalt  }
0x58: {  	_ =	shalt  }
0x59: {  	_ =	shalt  }
0x5a: {  	_ =	shalt  }
0x5b: {  	_ =	shalt  }
0x5c: {  	_ =	shalt  }
0x5d: {  	_ =	shalt  }
0x5e: {  	_ =	shalt  }
0x5f: {  	_ =	shalt  }
0x60: {  	_ =	shalt  }
0x61: {  	_ =	shalt  }
0x62: {  	_ =	shalt  }
0x63: {  	_ =	shalt  }
0x64: {  	_ =	shalt  }
0x65: {  	_ =	shalt  }
0x66: {  	_ =	shalt  }
0x67: {  	_ =	shalt  }
0x68: {  	_ =	shalt  }
0x69: {  	_ =	shalt  }
0x6a: {  	_ =	shalt  }
0x6b: {  	_ =	shalt  }
0x6c: {  	_ =	shalt  }
0x6d: {  	_ =	shalt  }
0x6e: {  	_ =	shalt  }
0x6f: {  	_ =	shalt  }
0x70: {  	_ =	shalt  }
0x71: {  	_ =	shalt  }
0x72: {  	_ =	shalt  }
0x73: {  	_ =	shalt  }
0x74: {  	_ =	shalt  }
0x75: {  	_ =	shalt  }
0x76: {  	_ =	shalt  }
0x77: {  	_ =	shalt  }
0x78: {  	_ =	shalt  }
0x79: {  	_ =	shalt  }
0x7a: {  	_ =	shalt  }
0x7b: {  	_ =	shalt  }
0x7c: {  	_ =	shalt  }
0x7d: {  	_ =	shalt  }
0x7e: {  	_ =	shalt  }
0x7f: {  	_ =	shalt  }
0x80: {  	_ =	shalt  }
0x81: {  	_ =	shalt  }
0x82: {  	_ =	shalt  }
0x83: {  	_ =	shalt  }
0x84: {  	_ =	shalt  }
0x85: {  	_ =	shalt  }
0x86: {  	_ =	shalt  }
0x87: {  	_ =	shalt  }
.Lfunc_end0:
.L_simem_size_0:
called_computation_lowered:
.L_overlay_start_0:
0x88: {  	s2 =	sld [smem:$0x3FD9]  }
0x89: {  	s3 =	sld [smem:$0x3FFE];
	_ =	sdelay $0x1  }
0x8a: {  	s1 =	srdreg.scid  }
0x8b: {  	s0 =	sand.u32 $0x1, s1  }
0x8c: {  	s17 =	sshll.u32 s0, $0xA;
	s2 =	sadd.s32 s3, s2  }
0x8d: {  	s2 =	sadd.s32 s2, s17  }
0x8e: {  	[smem:$0x3FC2] =	sst s2  }
0x8f: {  	_ = 	snop  }
0x90: {  	s2 =	sld [smem:$0x3FC7];
	(tm) =	ssettm $0x1  }
0x91: {  	s18 =	sld [smem:$0x3FFB];
	_ =	sdelay $0x3  }
0x92: {  	_ =	strace s18  }
0x93: {  	s3 =	sld [smem:$0x3FFC];
	_ =	sdelay $0x3  }
0x94: {  	_ =	strace s3  }
0x95: {  	s3 =	sld [smem:$0x3FFD];
	_ =	sdelay $0x3  }
0x96: {  	_ =	strace s3  }
0x97: {  	_ =	strace $0x8FFFFFFF  }
0x98: {  	s19 =	sld [smem:$0x3FDB];
	_ =	sdelay $0x1  }
0x99: {  	s4 =	simm.s32 $_scs_section_size  }
0x9a: {  	s5 =	simm.s32 $_size__tile_overlayer_lowered;
	s6 =	simm.s32 $_tile_overlayer_lowered  }
0x9b: {  	s22 =	simm.s32 $0x1BFF;
	s21 =	sshll.u32 s6, $0x1;
	s3 =	sadd.s32 s4, s19  }
0x9c: {  	s7 =	simm.s32 $0x0;
	s20 =	sshll.u32 s5, $0x1;
	s5 =	sadd.s32 s21, s3  }
0x9d: {  	[timem:s7], [sflag:s22] =	dma.local [hbm:s5], s20  }
0x9e: {  	_ =	swait.ge [sflag:s22], s20  }
0x9f: {  	s4 =	ssub.s32 $0x0, s20;
	[sflag:s22] =	ssyncset.done $0x0  }
0xa0: {  	[sflag:s22] =	ssyncadd.s32 s4;
	_ =	sdelay $0x1  }
0xa1: {  	s23 =	simm.s32 $0x1B8B  }
0xa2: {  	_ =	swait.ge [sflag:s23], $0x1  }
0xa3: {  	[sflag:s23] =	ssyncset.done $0x0  }
0xa4: {  	s25 =	simm.s32 $0x1B8E;
	s24 =	sld [smem:$0x3FFE];
	[sflag:s23] =	ssyncadd.s32 $0xFFFFFFFF  }
0xa5: {  	s26 =	simm.s32 $execute0_lowered;
	[smem:$0x3FD2] =	sst s25  }
0xa6: {  	s5 =	sshll.u32 s26, $0x1;
	_ =	strace $0x80000046;
	[dreg:$0x1] =	wrdreg $0xFFFFFFFF  }
0xa7: {  	s28 =	simm.s32 $_size_execute0_lowered;
	s3 =	sadd.s32 s3, s5;
	[dreg:$0x0] =	wrdreg $0x0  }
0xa8: {  	s5 =	sshll.u32 s28, $0x1;
	[dreg:$0x2] =	wrdreg s3  }
0xa9: {  	[dreg:$0x3] =	wrdreg s5  }
0xaa: {  	[dreg:$0x4] =	wrdreg $0xC0  }
0xab: {  	_ =	task [dreg:s7], $0x5FFFF  }
0xac: {  	[dreg:$0x1] =	wrdreg $0xFFFFFFFF  }
0xad: {  	[dreg:$0x0] =	wrdreg $0x60  }
0xae: {  	[dreg:$0x2] =	wrdreg s24  }
0xaf: {  	[dreg:$0x3] =	wrdreg s2  }
0xb0: {  	[dreg:$0x4] =	wrdreg $0x9  }
0xb1: {  	_ =	task.clear_ibuf [dreg:s7], $0x5FFFF;
	_ =	strace $0x90000046  }
0xb2: {  	s29 =	simm.s32 $0x9;
	_ =	strace $0x80000048  }
0xb3: {  	_ =	swait.ge [sflag:s29], $0x1  }
0xb4: {  	[sflag:s29] =	ssyncadd.s32 $0xFFFFFFFF  }
0xb5: {  	_ =	strace $0x90000048  }
0xb6: {  	_ =	sfence  }
0xb7: {  	s30 =	sld [smem:$0x0];
	_ =	sdelay $0x2  }
0xb8: {  	s31 =	sshll.u32 s1, $0xD;
	s1 =	sshrl.u32 s1, $0x2  }
0xb9: {  	s3 =	sand.u32 $0x4000, s31;
	s1 =	sadd.s32 s1, s30  }
0xba: {  	s0 =	sor.u32 s3, s0;
	s1 =	sshll.u32 s1, $0x11  }
0xbb: {  	s0 =	sor.u32 s1, s0  }
0xbc: {  	s0 =	sadd.s32 $0x8F2B, s0  }
0xbd: {  	[sflag:s0] =	ssyncadd.remote.s32 $0x1  }
0xbe: {  	_ =	sfence.sel $0xFFFF  }
0xbf: {  	[dreg:$0x0] =	wrdreg $0xFFFFFFFF;
	(pc) =	sbr.abs _section_cstart, $3  }
0xc0: {  	[dreg:$0x1] =	wrdreg $0xFFFFFFFF  }
0xc1: {  	_ =	task.clear_ibuf [dreg:s7], $0x2FFFF;
	_ =	strace $0x9FFFFFFF  }
0xc2: {  	(tm) =	ssettm $0x7FFFFFFF  }
0xc3: {  	_ =	shalt  }
tec
execute0_lowered:
.L_overlay_start_1:
0x0: {  	(tag) =	ssettag $0x1  }
0x1: {  	s0 =	rddreg [dreg:$0x0]  }
0x2: {  	s1 =	srdreg.scid;
	s2 =	stileid.u32;
	s3 =	simm.s32 $0x0  }
0x3: {  	s28 =	simm.s32 $0x1C00;
	s29 =	simm.s32 $0x1D00;
	s31 =	simm.s32 $0x10E00  }
0x4: {  	s1 =	sand.u32 $0x1, s1;
	s2 =	sshll.u32 s2, $0x1;
	[smem:$0x7FF] =	sst s3  }
0x5: {  	s4 =	sadd.s32 $0x3D800, s0;
	s6 =	sadd.s32 $0x1000, s0;
	s21 =	sadd.s32 $0x1400, s0  }
0x6: {  	s22 =	sadd.s32 $0x1200, s0;
	_ =	strace $0x80000047;
	[dreg:$0x3] =	wrdreg s6  }
0x7: {  	s8 =	sadd.s32 $0x85800, s0;
	s2 =	sor.u32 s1, s2;
	[dreg:$0x4] =	wrdreg s21  }
0x8: {  	s1 =	ssub.s32 $0x2, s1;
	[dreg:$0x5] =	wrdreg s22;
	s5 =	smul.u32 $0x1400, s2  }
0x9: {  	s23 =	sshrl.u32 s1, $0x1;
	s9 =	sshll.u32 s2, $0x6;
	s22 =	sshll.u32 s2, $0xE  }
0xa: {  	s24 =	ssub.s32 s1, s23;
	s1 =	simm.s32 $0x10D00;
	s5 =	sshrl.u32 s5, $0x3  }
0xb: {  	s23 =	smax.u32 s24, $0x1;
	s24 =	simm.s32 $0x1;
	s5 =	sadd.s32 s5, s0  }
0xc: {  	s0 =	simm.s32 $0x0;
	s25 =	sadd.s32 $0x1800, s5;
	s26 =	sadd.s32 $0x6800, s5  }
0xd: {  	s30 =	sadd.s32 $0xB800, s5;
	s13 =	sadd.s32 $0x10800, s5;
	s14 =	sadd.s32 $0x15800, s5  }
0xe: {  	s15 =	sadd.s32 $0x1A800, s5;
	s16 =	sadd.s32 $0x1F800, s5;
	s17 =	sadd.s32 $0x24800, s5  }
0xf: {  	v0 =	vlaneseq.u32;
	s18 =	sadd.s32 $0x29800, s5;
	s19 =	sadd.s32 $0x2E800, s5;
	[dreg:$0x6] =	wrdreg s25  }
0x10: {  	v1 =	vand.u32 $0x7, v0;
	s20 =	sadd.s32 $0x33800, s5;
	s21 =	sadd.s32 $0x38800, s5;
	[dreg:$0x7] =	wrdreg s26  }
0x11: {  	v1 =	vmul.u32 $0x80, v1;
	[dreg:$0x8] =	wrdreg s30;
	s25 =	simm.s32 $0x80;
	s26 =	simm.s32 $0x100  }
.LBB2_1:
0x12: {  	s2 =	rddreg [dreg:$0x3]  }
0x13: {  	[tilespmem:s3], [sflag:$0x1] =	stream.linear.gather [hbm4b:s2+s3], $0x80, $0x38;
	[tilespmem:$0x14E00] =	vst v63  }
0x14: {  	_ =	swait.ge [sflag:s24], $0x80  }
0x15: {  	[sflag:s24] =	ssyncset.done $0x0  }
0x16: {  	[sflag:s24] =	ssyncadd.s32 $0xFFFFFF80  }
0x17: {  	s12 =	rddreg [dreg:$0x1]  }
0x18: {  	[tilespmem:s25], [sflag:$0x1] =	stream.linear.gather [hbm4b:s12+s3], $0x80, $0x38;
	[tilespmem:$0x14E00] =	vst v63  }
0x19: {  	_ =	swait.ge [sflag:s24], $0x80  }
0x1a: {  	[sflag:s24] =	ssyncset.done $0x0  }
0x1b: {  	s30 =	rddreg [dreg:$0x4];
	[sflag:s24] =	ssyncadd.s32 $0xFFFFFF80  }
0x1c: {  	[tilespmem:s26], [sflag:$0x1] =	stream.linear.gather [hbm4b:s30+s3], $0x1B00, $0x38;
	[tilespmem:$0x14E00] =	vst v63  }
0x1d: {  	_ =	swait.ge [sflag:s24], $0x1B00  }
0x1e: {  	[sflag:s24] =	ssyncset.done $0x0  }
0x1f: {  	s5 =	rddreg [dreg:$0x5];
	[sflag:s24] =	ssyncadd.s32 $0xFFFFE500  }
0x20: {  	[tilespmem:s28], [sflag:$0x1] =	stream.linear.gather [hbm4b:s5+s3], $0x100, $0x38;
	[tilespmem:$0x14E00] =	vst v63  }
0x21: {  	_ =	swait.ge [sflag:s24], $0x100  }
0x22: {  	[sflag:s24] =	ssyncset.done $0x0  }
0x23: {  	s6 =	rddreg [dreg:$0x6];
	[sflag:s24] =	ssyncadd.s32 $0xFFFFFF00  }
0x24: {  	[tilespmem:s29], [sflag:$0x1] =	stream.linear.gather [hbm4b:s6+s3], $0x1400, $0x38;
	[tilespmem:$0x14E00] =	vst v63  }
0x25: {  	_ =	swait.ge [sflag:s24], $0x1400  }
0x26: {  	[sflag:s24] =	ssyncset.done $0x0  }
0x27: {  	s5 =	simm.s32 $0x3100;
	s7 =	rddreg [dreg:$0x7];
	[sflag:s24] =	ssyncadd.s32 $0xFFFFEC00  }
0x28: {  	[tilespmem:s5], [sflag:$0x1] =	stream.linear.gather [hbm4b:s7+s3], $0x1400, $0x38;
	[tilespmem:$0x14E00] =	vst v63  }
0x29: {  	_ =	swait.ge [sflag:s24], $0x1400  }
0x2a: {  	[sflag:s24] =	ssyncset.done $0x0  }
0x2b: {  	s11 =	simm.s32 $0x4500;
	s10 =	rddreg [dreg:$0x8];
	[sflag:s24] =	ssyncadd.s32 $0xFFFFEC00  }
0x2c: {  	[tilespmem:s11], [sflag:$0x1] =	stream.linear.gather [hbm4b:s10+s3], $0x1400, $0x38;
	[tilespmem:$0x14E00] =	vst v63  }
0x2d: {  	_ =	swait.ge [sflag:s24], $0x1400  }
0x2e: {  	[sflag:s24] =	ssyncset.done $0x0  }
0x2f: {  	s12 =	simm.s32 $0x5900;
	[sflag:s24] =	ssyncadd.s32 $0xFFFFEC00  }
0x30: {  	[tilespmem:s12], [sflag:$0x1] =	stream.linear.gather [hbm4b:s13+s3], $0x1400, $0x38;
	[tilespmem:$0x14E00] =	vst v63  }
0x31: {  	_ =	swait.ge [sflag:s24], $0x1400  }
0x32: {  	[sflag:s24] =	ssyncset.done $0x0  }
0x33: {  	s30 =	simm.s32 $0x6D00;
	[sflag:s24] =	ssyncadd.s32 $0xFFFFEC00  }
0x34: {  	[tilespmem:s30], [sflag:$0x1] =	stream.linear.gather [hbm4b:s14+s3], $0x1400, $0x38;
	[tilespmem:$0x14E00] =	vst v63  }
0x35: {  	_ =	swait.ge [sflag:s24], $0x1400  }
0x36: {  	[sflag:s24] =	ssyncset.done $0x0  }
0x37: {  	s5 =	simm.s32 $0x8100;
	[sflag:s24] =	ssyncadd.s32 $0xFFFFEC00  }
0x38: {  	[tilespmem:s5], [sflag:$0x1] =	stream.linear.gather [hbm4b:s15+s3], $0x1400, $0x38;
	[tilespmem:$0x14E00] =	vst v63  }
0x39: {  	_ =	swait.ge [sflag:s24], $0x1400  }
0x3a: {  	[sflag:s24] =	ssyncset.done $0x0  }
0x3b: {  	s6 =	simm.s32 $0x9500;
	[sflag:s24] =	ssyncadd.s32 $0xFFFFEC00  }
0x3c: {  	[tilespmem:s6], [sflag:$0x1] =	stream.linear.gather [hbm4b:s16+s3], $0x1400, $0x38;
	[tilespmem:$0x14E00] =	vst v63  }
0x3d: {  	_ =	swait.ge [sflag:s24], $0x1400  }
0x3e: {  	[sflag:s24] =	ssyncset.done $0x0  }
0x3f: {  	s7 =	simm.s32 $0xA900;
	[sflag:s24] =	ssyncadd.s32 $0xFFFFEC00  }
0x40: {  	[tilespmem:s7], [sflag:$0x1] =	stream.linear.gather [hbm4b:s17+s3], $0x1400, $0x38;
	[tilespmem:$0x14E00] =	vst v63  }
0x41: {  	_ =	swait.ge [sflag:s24], $0x1400  }
0x42: {  	[sflag:s24] =	ssyncset.done $0x0  }
0x43: {  	s10 =	simm.s32 $0xBD00;
	[sflag:s24] =	ssyncadd.s32 $0xFFFFEC00  }
0x44: {  	[tilespmem:s10], [sflag:$0x1] =	stream.linear.gather [hbm4b:s18+s3], $0x1400, $0x38;
	[tilespmem:$0x14E00] =	vst v63  }
0x45: {  	_ =	swait.ge [sflag:s24], $0x1400  }
0x46: {  	[sflag:s24] =	ssyncset.done $0x0  }
0x47: {  	s11 =	simm.s32 $0xD100;
	[sflag:s24] =	ssyncadd.s32 $0xFFFFEC00  }
0x48: {  	[tilespmem:s11], [sflag:$0x1] =	stream.linear.gather [hbm4b:s19+s3], $0x1400, $0x38;
	[tilespmem:$0x14E00] =	vst v63  }
0x49: {  	_ =	swait.ge [sflag:s24], $0x1400  }
0x4a: {  	[sflag:s24] =	ssyncset.done $0x0  }
0x4b: {  	s12 =	simm.s32 $0xE500;
	[sflag:s24] =	ssyncadd.s32 $0xFFFFEC00  }
0x4c: {  	[tilespmem:s12], [sflag:$0x1] =	stream.linear.gather [hbm4b:s20+s3], $0x1400, $0x38;
	[tilespmem:$0x14E00] =	vst v63  }
0x4d: {  	_ =	swait.ge [sflag:s24], $0x1400  }
0x4e: {  	[sflag:s24] =	ssyncset.done $0x0  }
0x4f: {  	s30 =	simm.s32 $0xF900;
	[sflag:s24] =	ssyncadd.s32 $0xFFFFEC00  }
0x50: {  	[tilespmem:s30], [sflag:$0x1] =	stream.linear.gather [hbm4b:s21+s3], $0x1400, $0x38;
	[tilespmem:$0x14E00] =	vst v63  }
0x51: {  	_ =	swait.ge [sflag:s24], $0x1400  }
0x52: {  	[sflag:s24] =	ssyncset.done $0x0  }
0x53: {  	s2 =	simm.s32 $0x0;
	[sflag:s24] =	ssyncadd.s32 $0xFFFFEC00  }
.LBB2_2:
0x54: {  	s5 =	smul.u32 $0x1400, s2;
	_ =	sdelay $0x1  }
0x55: {  	s6 =	simm.s32 $0x0;
	v2 =	vmov s5;
	s5 =	simm.s32 $0x0  }
.LBB2_3:
0x56: {  	s7 =	sshll.u32 s6, $0x4  }
0x57: {  	v3 =	vor.u32 s7, v0  }
0x58: {  	v4 =	vmul.u32 $0x50, v3;
	_ =	sdelay $0x1  }
0x59: {  	v4 =	vadd.s32 v2, v4  }
0x5a: {  	v5 =	vadd.s32 s5, v4  }
0x5b: {  	v6 =	vmov s5;
	v3 =	vshll.u32 v3, $0x8  }
0x5c: {  	v6 =	vadd.s32 $0x48, v6;
	v3 =	vand.u32 $0x3800, v3  }
0x5d: {  	v7 =	vand.u32 $0x7F, v6;
	v6 =	vshll.u32 v6, $0x3;
	v3 =	vor.u32 v1, v3  }
0x5e: {  	v6 =	vand.u32 $0x400, v6;
	v7 =	vor.u32 v7, v3  }
0x5f: {  	s7 =	simm.s32 $0x1;
	v7 =	vor.u32 v6, v7;
	v5 =	vld.idx.msk [tilespmem:v5+s29+$0x0], $0xffff  }
0x60: {  	s10 =	simm.s32 $0x2;
	v6 =	vadd.s32 s7, v4  }
.LBB2_4:
0x61: {  	p0 =	sne.s32 s10, $0x4F  }
0x62: {  	v8 =	vmov s7;
	s7 =	smov.u32 s10  }
.Ltmp0:
0x63: {  	v8 =	vadd.s32 $0x48, v8;
	(pc) =	sbr.rel @p0 .LBB2_4-.Ltmp0, $4  }
0x64: {  	v9 =	vand.u32 $0x7F, v8;
	v8 =	vshll.u32 v8, $0x3;
	[tilespmem:v7+s31+$0x0] =	vst.idx.msk $0xffff, v5  }
0x65: {  	v7 =	vor.u32 v9, v3;
	v5 =	vld.idx.msk [tilespmem:v6+s29+$0x0], $0xffff;
	v6 =	vand.u32 $0x400, v8  }
0x66: {  	v7 =	vor.u32 v6, v7  }
0x67: {  	s10 =	sadd.s32 $0x1, s10;
	v6 =	vadd.s32 s7, v4  }
0x68: {  	_ = 	snop  }
0x69: {  	v4 =	vmov s7  }
0x6a: {  	v4 =	vadd.s32 $0x48, v4  }
0x6b: {  	v8 =	vand.u32 $0x7F, v4;
	v4 =	vshll.u32 v4, $0x3  }
0x6c: {  	s6 =	sadd.s32 $0x1, s6;
	[tilespmem:v7+s31+$0x0] =	vst.idx.msk $0xffff, v5;
	v4 =	vand.u32 $0x400, v4;
	v3 =	vor.u32 v8, v3  }
0x6d: {  	p0 =	seq.s32 s6, $0x4;
	v5 =	vld.idx.msk [tilespmem:v6+s29+$0x0], $0xffff;
	v3 =	vor.u32 v4, v3  }
.Ltmp1:
0x6e: {  	_ = 	snop;
	(pc) =	sbr.rel @!p0 .LBB2_3-.Ltmp1, $2  }
0x6f: {  	_ =	sdelay $0x2  }
0x70: {  	[tilespmem:v3+s31+$0x0] =	vst.idx.msk $0xffff, v5  }
0x71: {  	s5 =	sshll.u32 s2, $0x13  }
0x72: {  	s6 =	simm.s32 $0x0;
	s30 =	sor.u32 s22, s5;
	s5 =	simm.s32 $0x0  }
.LBB2_7:
0x73: {  	s7 =	smul.u32 $0xC, s6;
	_ =	sdelay $0x1  }
0x74: {  	s7 =	sadd.s32 s2, s7  }
0x75: {  	s7 =	sshll.u32 s7, $0xB  }
0x76: {  	s7 =	sor.u32 s9, s7  }
0x77: {  	s7 =	smul.u32 $0x3, s7;
	_ =	sdelay $0x1  }
0x78: {  	s7 =	sshrl.u32 s7, $0x3  }
0x79: {  	s7 =	sadd.s32 s4, s7  }
0x7a: {  	[tilespmem:s1], [sflag:$0x1] =	stream.linear.gather [hbm4b:s7+s5], $0xC0, $0x38;
	[tilespmem:$0x14E00] =	vst v63  }
0x7b: {  	_ =	swait.ge [sflag:s24], $0xC0  }
0x7c: {  	[sflag:s24] =	ssyncset.done $0x0  }
0x7d: {  	s7 =	simm.s32 $0x0;
	[sflag:s24] =	ssyncadd.s32 $0xFFFFFF40  }
.LBB2_8:
0x7e: {  	s10 =	sshll.u32 s7, $0x4  }
0x7f: {  	v3 =	vor.u32 s10, v0  }
0x80: {  	s10 =	simm.s32 $0x0;
	v4 =	vmul.u32 $0x3, v3  }
0x81: {  	v6 =	vmov s10  }
0x82: {  	v2 =	vadd.s32 $0x1, v4;
	_ =	sdelay $0x1  }
0x83: {  	v7 =	vadd.s32 $0x18, v6  }
0x84: {  	v9 =	vadd.s32 $0x30, v6  }
0x85: {  	v8 =	vadd.s32 $0x2, v4;
	v10 =	vld.idx.msk [tilespmem:v6+s3+$0x0], $0xffff  }
0x86: {  	v2 =	vld.idx.msk [tilespmem:v2+s1+$0x0], $0xffff  }
0x87: {  	v5 =	vld.idx.msk [tilespmem:v4+s1+$0x0], $0xffff  }
0x88: {  	v11 =	vld.idx.msk [tilespmem:v7+s3+$0x0], $0xffff  }
0x89: {  	v12 =	vld.idx.msk [tilespmem:v9+s3+$0x0], $0xffff  }
0x8a: {  	v4 =	vld.idx.msk [tilespmem:v8+s1+$0x0], $0xffff  }
0x8b: {  	v8 =	vmul.f32 $2.880000000e+02, v2  }
0x8c: {  	v10 =	vmul.f32 v10, v5  }
0x8d: {  	v3 =	vshll.u32 v3, $0x8;
	v11 =	vmul.f32 v11, v2;
	v8 =	vtrunc.f32 v8  }
0x8e: {  	v3 =	vand.u32 $0x3800, v3;
	v6 =	vld.idx.msk [tilespmem:v6+s25+$0x0], $0xffff;
	v8 =	vcvt.f32.s32 v8  }
0x8f: {  	v3 =	vor.u32 v1, v3;
	v10 =	vadd.f32 v11, v10;
	v11 =	vmul.f32 v12, v4  }
0x90: {  	v12 =	vor.u32 s10, v3;
	v8 =	vmul.u32 $0x18, v8  }
0x91: {  	v10 =	vadd.f32 v11, v10;
	_ =	sdelay $0x1  }
0x92: {  	v11 =	vtrunc.f32 v4;
	v6 =	vadd.f32 v10, v6  }
0x93: {  	v10 =	vcvt.f32.s32 v11  }
0x94: {  	[tilespmem:v12+s31+$0x0] =	vst.idx.msk $0xffff, v6  }
0x95: {  	v11 =	vmul.u32 $0x18, v10;
	v12 =	vor.u32 v3, v7;
	v10 =	vld.idx.msk [tilespmem:v8+s26+$0x0], $0xffff;
	_ =	sdelay $0x4  }
0x96: {  	[tilespmem:v12+s31+$0x0] =	vst.idx.msk $0xffff, v10  }
0x97: {  	s11 =	simm.s32 $0x1;
	v6 =	vor.u32 $0x1, v11;
	v12 =	vor.u32 v3, v9;
	v11 =	vld.idx.msk [tilespmem:v11+s28+$0x0], $0xffff  }
0x98: {  	v10 =	vmov s11  }
0x99: {  	s12 =	simm.s32 $0x2;
	v7 =	vor.u32 $0x1, v8;
	v9 =	vadd.s32 $0x18, v10;
	v8 =	vadd.s32 $0x30, v10  }
.LBB2_9:
0x9a: {  	_ = 	snop  }
0x9b: {  	p0 =	sne.s32 s12, $0x17  }
0x9c: {  	v13 =	vadd.s32 s10, v7;
	v14 =	vadd.s32 s10, v6;
	s10 =	smov.u32 s11;
	s11 =	smov.u32 s12;
	s12 =	sadd.s32 $0x1, s12;
	[tilespmem:v12+s31+$0x0] =	vst.idx.msk $0xffff, v11  }
0x9d: {  	v11 =	vld.idx.msk [tilespmem:v10+s3+$0x0], $0xffff  }
0x9e: {  	v12 =	vld.idx.msk [tilespmem:v9+s3+$0x0], $0xffff;
	_ =	sdelay $0x1  }
0x9f: {  	v15 =	vld.idx.msk [tilespmem:v8+s3+$0x0], $0xffff;
	_ =	sdelay $0x3  }
0xa0: {  	v11 =	vmul.f32 v11, v5;
	v12 =	vmul.f32 v12, v2;
	v10 =	vld.idx.msk [tilespmem:v10+s25+$0x0], $0xffff;
	_ =	sdelay $0x1  }
0xa1: {  	v11 =	vadd.f32 v12, v11;
	v12 =	vmul.f32 v15, v4  }
0xa2: {  	v15 =	vor.u32 s10, v3  }
0xa3: {  	v11 =	vadd.f32 v12, v11;
	_ =	sdelay $0x1  }
0xa4: {  	v10 =	vadd.f32 v11, v10;
	_ =	sdelay $0x1  }
0xa5: {  	[tilespmem:v15+s31+$0x0] =	vst.idx.msk $0xffff, v10  }
0xa6: {  	v10 =	vld.idx.msk [tilespmem:v13+s26+$0x0], $0xffff  }
0xa7: {  	v9 =	vor.u32 v3, v9;
	_ =	sdelay $0x4  }
.Ltmp2:
0xa8: {  	[tilespmem:v9+s31+$0x0] =	vst.idx.msk $0xffff, v10;
	(pc) =	sbr.rel @p0 .LBB2_9-.Ltmp2, $4  }
0xa9: {  	v11 =	vld.idx.msk [tilespmem:v14+s28+$0x0], $0xffff  }
0xaa: {  	v12 =	vor.u32 v3, v8  }
0xab: {  	v10 =	vmov s11  }
0xac: {  	v9 =	vadd.s32 $0x18, v10;
	v8 =	vadd.s32 $0x30, v10  }
0xad: {  	_ =	sdelay $0x3  }
0xae: {  	[tilespmem:v12+s31+$0x0] =	vst.idx.msk $0xffff, v11  }
0xaf: {  	v11 =	vld.idx.msk [tilespmem:v10+s3+$0x0], $0xffff  }
0xb0: {  	v12 =	vld.idx.msk [tilespmem:v9+s3+$0x0], $0xffff;
	_ =	sdelay $0x1  }
0xb1: {  	v13 =	vld.idx.msk [tilespmem:v8+s3+$0x0], $0xffff;
	_ =	sdelay $0x2  }
0xb2: {  	v5 =	vmul.f32 v11, v5;
	v2 =	vmul.f32 v12, v2  }
0xb3: {  	v60 =	vld.idx.msk [tilespmem:v10+s25+$0x0], $0xffff  }
0xb4: {  	v4 =	vmul.f32 v13, v4;
	v2 =	vadd.f32 v2, v5  }
0xb5: {  	v61 =	vor.u32 s11, v3  }
0xb6: {  	v7 =	vadd.s32 s10, v7;
	v2 =	vadd.f32 v4, v2;
	_ =	sdelay $0x1  }
0xb7: {  	v2 =	vadd.f32 v2, v60;
	_ =	sdelay $0x1  }
0xb8: {  	[tilespmem:v61+s31+$0x0] =	vst.idx.msk $0xffff, v2  }
0xb9: {  	v62 =	vor.u32 v3, v9;
	v2 =	vld.idx.msk [tilespmem:v7+s26+$0x0], $0xffff  }
0xba: {  	v63 =	vadd.s32 s10, v6;
	_ =	sdelay $0x3  }
0xbb: {  	s7 =	sadd.s32 $0x1, s7;
	[tilespmem:v62+s31+$0x0] =	vst.idx.msk $0xffff, v2  }
0xbc: {  	v3 =	vor.u32 v3, v8;
	p0 =	sne.s32 s7, $0x4;
	v2 =	vld.idx.msk [tilespmem:v63+s28+$0x0], $0xffff  }
.Ltmp3:
0xbd: {  	_ = 	snop;
	(pc) =	sbr.rel @p0 .LBB2_8-.Ltmp3, $2  }
0xbe: {  	_ =	sdelay $0x2  }
0xbf: {  	[tilespmem:v3+s31+$0x0] =	vst.idx.msk $0xffff, v2  }
0xc0: {  	s7 =	smul.u32 $0x600000, s6;
	_ =	sdelay $0x1  }
0xc1: {  	s6 =	sadd.s32 $0x1, s6;
	s7 =	sadd.s32 s30, s7  }
0xc2: {  	p0 =	sne.s32 s6, $0x20;
	s7 =	sshrl.u32 s7, $0x3  }
.Ltmp4:
0xc3: {  	s7 =	sadd.s32 s8, s7;
	(pc) =	sbr.rel @p0 .LBB2_7-.Ltmp4, $4  }
0xc4: {  	[hbm4b:s7+s3] =	stream.linear.scatter [tilespmem:s31], [sflag:$0x1], $0x4000, $0x38;
	[tilespmem:$0x14E00] =	vst v63  }
0xc5: {  	_ =	swait.ge [sflag:s24], $0x4000  }
0xc6: {  	[sflag:s24] =	ssyncset.done $0x0  }
0xc7: {  	[sflag:s24] =	ssyncadd.s32 $0xFFFFC000  }
0xc8: {  	s2 =	sadd.s32 $0x1, s2  }
0xc9: {  	p0 =	sne.s32 s2, $0xC  }
.Ltmp5:
0xca: {  	_ = 	snop;
	(pc) =	sbr.rel @p0 .LBB2_2-.Ltmp5, $1  }
0xcb: {  	_ =	sdelay $0x3  }
0xcc: {  	s0 =	sadd.s32 $0x1, s0  }
0xcd: {  	p0 =	sne.s32 s0, s23  }
.Ltmp6:
0xce: {  	_ = 	snop;
	(pc) =	sbr.rel @p0 .LBB2_1-.Ltmp6, $1  }
0xcf: {  	_ =	sdelay $0x3  }
0xd0: {  	_ =	sfence.sel $0x180000  }
0xd1: {  	[bflag:$0x0] =	sbarrier.arrive $0xFFFF  }
0xd2: {  	_ =	strace $0x90000047  }
0xd3: {  	s0 =	stileid.u32;
	[bflag:$0x2] =	sbarrier.arrive $0xFFFF  }
0xd4: {  	p0 =	sne.s32 s0, $0x0;
	s0 =	rddreg [dreg:$0x2]  }
0xd5: {  	s0 =	sadd.s32 @!p0 $0x100000, s0  }
0xd6: {  	[sflag:s0] =	ssyncadd.tile.s32 @!p0 $0x1;
	_ =	shalt  }
.Lfunc_end2:
_tile_overlayer_lowered:
.L_overlay_start_2:
0xd7: {  	(tag) =	ssettag $0x2  }
0xd8: {  	s0 =	rddreg [dreg:$0x0];
	s2 =	stileid.u32  }
0xd9: {  	s1 =	rddreg [dreg:$0x1];
	p0 =	sne.s32 s2, $0x0  }
0xda: {  	s3 =	rddreg [dreg:$0x2];
	[bflag:$0x3] =	sbarrier.arrive $0xFFFF;
	s2 =	simm.s32 @!p0 $0x1C01  }
0xdb: {  	[timem:s3], [sflag:s2] =	dma.local @!p0 [hbm:s0], s1  }
0xdc: {  	s0 =	simm.s32 @!p0 $0x1  }
0xdd: {  	_ =	swait.ge @!p0 [sflag:s0], s1  }
0xde: {  	s1 =	ssub.s32 @!p0 $0x0, s1;
	[sflag:s0] =	ssyncset.done @!p0 $0x0  }
0xdf: {  	[sflag:s0] =	ssyncadd.s32 @!p0 s1  }
0xe0: {  	[bflag:$0x3] =	sbarrier.arrive $0xFFFF  }
0xe1: {  	_ =	shalt  }

</sc_bundles>
